<compile_context>
chip_gen: v7x
topology: tpu7x:2x2x1
jax: 0.10.2.dev20260603
libtpu: 0.0.44.dev20260713+nightly
codegen_flags: <defaults>
</compile_context>

<pallas_src>
import functools

import jax
import jax.numpy as jnp
from jax import lax
from jax.experimental import pallas as pl
from jax.experimental.pallas import tpu as pltpu
from jax.experimental.pallas import tpu_sc as plsc

N_NODES = 10000
D = 128
N_EDGES = 320000

NC = 2
NS = 16
NW = NC * NS
MICRO = 128
NBUF = 2
M_PER_TILE = 80
CH = 8
SUPER = 16
NSUPER = M_PER_TILE // SUPER
EP = NW * M_PER_TILE * MICRO
ROWS2D = EP // MICRO
OCTETS = ROWS2D // CH
OCT_PER_TILE = M_PER_TILE // CH
ACC_ROWS = 10240
ZROWS = ACC_ROWS // NS
E_ROWS = N_EDGES // MICRO


def _pad_body(e_ref, o_ref):
    tail = ROWS2D - E_ROWS
    flat = (jax.lax.broadcasted_iota(jnp.int32, (tail, MICRO), 0) * MICRO
            + jax.lax.broadcasted_iota(jnp.int32, (tail, MICRO), 1))
    pad_src = flat % N_NODES
    pad_dst = N_NODES + jax.lax.rem(flat, ACC_ROWS - N_NODES)
    src = jnp.concatenate(
        [e_ref[0].reshape(E_ROWS, MICRO), pad_src], axis=0)
    dst = jnp.concatenate(
        [e_ref[1].reshape(E_ROWS, MICRO), pad_dst], axis=0)
    o_ref[:, 0] = src.reshape(OCTETS, CH, MICRO)
    o_ref[:, 1] = dst.reshape(OCTETS, CH, MICRO)


def _pad_edges(edge_index):
    return pl.pallas_call(
        _pad_body,
        in_specs=[pl.BlockSpec((2, N_EDGES), lambda: (0, 0))],
        out_specs=pl.BlockSpec((OCTETS, 2, CH, MICRO), lambda: (0, 0, 0, 0)),
        out_shape=jax.ShapeDtypeStruct((OCTETS, 2, CH, MICRO), jnp.int32),
    )(edge_index)


def _mm_body(x_ref, w_ref, o_ref):
    o_ref[...] = jnp.dot(x_ref[...], w_ref[...],
                         preferred_element_type=jnp.float32)


def _project(feat, W):
    return pl.pallas_call(
        _mm_body,
        grid=(5,),
        in_specs=[
            pl.BlockSpec((N_NODES // 5, D), lambda i: (i, 0)),
            pl.BlockSpec((D, D), lambda i: (0, 0)),
        ],
        out_specs=pl.BlockSpec((N_NODES // 5, D), lambda i: (i, 0)),
        out_shape=jax.ShapeDtypeStruct((N_NODES, D), jnp.float32),
    )(feat, W)


def _add_body(p_ref, o_ref):
    o_ref[...] = p_ref[0] + p_ref[1]


def _combine(partials):
    return pl.pallas_call(
        _add_body,
        grid=(5,),
        in_specs=[pl.BlockSpec((2, N_NODES // 5, D), lambda i: (0, i, 0))],
        out_specs=pl.BlockSpec((N_NODES // 5, D), lambda i: (i, 0)),
        out_shape=jax.ShapeDtypeStruct((N_NODES, D), jnp.float32),
    )(partials)


@functools.partial(
    pl.kernel,
    out_type=jax.ShapeDtypeStruct((NC, ACC_ROWS, D), jnp.float32),
    mesh=plsc.VectorSubcoreMesh(core_axis_name="c", subcore_axis_name="s"),
    scratch_types=[
        pltpu.VMEM_SHARED((ACC_ROWS, D), jnp.float32),
        pltpu.VMEM((2, 2, CH, MICRO), jnp.int32),
        pltpu.VMEM((NBUF, MICRO, D), jnp.float32),
        pltpu.SemaphoreType.DMA,
        pltpu.SemaphoreType.DMA,
        pltpu.SemaphoreType.DMA,
        pltpu.SemaphoreType.DMA,
        pltpu.SemaphoreType.DMA,
        pltpu.SemaphoreType.DMA,
    ],
)
def _sc_segment_sum(h_hbm, idx_hbm, out_hbm,
                    acc, idxv, bufs, g0, g1, c0, c1, i0, i1):
    gsems = (g0, g1)
    ssems = (c0, c1)
    isems = (i0, i1)
    c = lax.axis_index("c")
    s = lax.axis_index("s")
    wid = c * NS + s
    oct0 = wid * OCT_PER_TILE

    def _stage(k, p):
        pltpu.async_copy(idx_hbm.at[oct0 + k], idxv.at[p], isems[p])

    def _stage_wait(p):
        pltpu.make_async_copy(idx_hbm.at[0], idxv.at[p], isems[p]).wait()

    def _fire_gather(j, b):
        m = j % SUPER
        pltpu.async_copy(
            h_hbm.at[idxv.at[m // CH, 0, m % CH]], bufs.at[b], gsems[b])

    def _gather_wait(b):
        pltpu.make_async_copy(
            h_hbm.at[pl.ds(0, MICRO)], bufs.at[b], gsems[b]).wait()

    def _scatter_wait(b):
        pltpu.make_async_copy(
            bufs.at[b], acc.at[pl.ds(0, MICRO)], ssems[b]).wait()

    _stage(0, 0)
    _stage(1, 1)

    zbuf = bufs.at[0]
    zero16 = jnp.zeros((16,), jnp.float32)

    def _zero_row(i, _):
        for cc in range(D // 16):
            zbuf[i, pl.ds(cc * 16, 16)] = zero16
        return 0

    lax.fori_loop(0, MICRO, _zero_row, 0)
    zbase = s * ZROWS
    zd = [
        pltpu.async_copy(zbuf, acc.at[pl.ds(zbase + k * MICRO, MICRO)],
                         gsems[k % NBUF])
        for k in range(ZROWS // MICRO)
    ]
    for d in zd:
        d.wait()

    plsc.subcore_barrier()

    _stage_wait(0)
    _fire_gather(0, 0)
    _fire_gather(1, 1)

    def _super(K, _):
        not_last = K < NSUPER - 1
        for j in range(SUPER):
            b = j % NBUF
            _gather_wait(b)
            pltpu.async_copy(
                bufs.at[b], acc.at[idxv.at[j // CH, 1, j % CH]], ssems[b],
                add=True)
            if j == CH - NBUF:
                _stage_wait(1)
            if j == CH:
                @pl.when(not_last)
                def _pf0():
                    _stage(2 * K + 2, 0)
            _scatter_wait(b)
            if j + NBUF < SUPER:
                _fire_gather(j + NBUF, b)
            else:
                if j == SUPER - NBUF:
                    @pl.when(not_last)
                    def _w0():
                        _stage_wait(0)

                @pl.when(not_last)
                def _gnext():
                    _fire_gather(j + NBUF, b)

        @pl.when(not_last)
        def _prefetch():
            _stage(2 * K + 3, 1)

        return 0

    lax.fori_loop(0, NSUPER, _super, 0)

    plsc.subcore_barrier()

    obase = s * ZROWS
    pltpu.sync_copy(acc.at[pl.ds(obase, ZROWS)],
                    out_hbm.at[c, pl.ds(obase, ZROWS)])


def kernel(feat, edge_index, W, al, ar):
    del al, ar
    idx = _pad_edges(edge_index)
    h = _project(feat, W)
    partials = _sc_segment_sum(h, idx)
    return _combine(partials)

# --- scband reference (transcript-rebuilt; emitter-appended) ---
"""Pipeline reference for scband-gatlayer-19859928776755 (READ-ONLY COPY).

The authoritative reference and input builder live on the scoring server;
editing this copy changes nothing except your own understanding.
"""

import jax, jax.numpy as jnp
import numpy as np

N_NODES = 10000
N_EDGES = 320000
D_IN = 128
D_OUT = 128


def setup_inputs(seed: int = 0) -> dict:
    key = jax.random.key(seed)
    k1, k2, k3, k4, k5 = jax.random.split(key, 5)
    feat = jax.random.normal(k1, (N_NODES, D_IN), dtype=jnp.float32)
    edge_index = jax.random.randint(k2, (2, N_EDGES), 0, N_NODES, dtype=jnp.int32)
    # learned parameters per init_kwargs (in_feats=128, out_feats=128)
    W = jax.random.normal(k3, (D_IN, D_OUT), dtype=jnp.float32)
    al = jax.random.normal(k4, (D_IN, 1), dtype=jnp.float32)
    ar = jax.random.normal(k5, (D_IN, 1), dtype=jnp.float32)
    return {"feat": feat, "edge_index": edge_index, "W": W, "al": al, "ar": ar}


def reference(feat, edge_index, W, al, ar):
    src = edge_index[0]
    dst = edge_index[1]
    # node-level projections
    h = feat @ W            # [N, D_OUT]
    el = feat @ al          # [N, 1]
    er = feat @ ar          # [N, 1]
    # apply_edges: u_add_v('el','er','e')  -> e_ij = el[src] + er[dst]
    e = el[src] + er[dst]                       # [E, 1]
    e = jax.nn.leaky_relu(e, negative_slope=0.01)
    # F.softmax on a 2D [E,1] tensor defaults to dim=1 in torch
    w = jax.nn.softmax(e, axis=1)               # [E, 1]
    # update_all: src_mul_edge('h','w','m') then sum('m','h')
    m = h[src] * w                               # gather + elementwise
    rst = jax.ops.segment_sum(m, dst, num_segments=feat.shape[0])  # scatter-add
    return rst

if __name__ == "__main__":
    import jax
    _d = setup_inputs()
    print(jax.jit(kernel)(*tuple(_d.values())))

</pallas_src>

<mosaic_0001>
#map = affine_map<(d0, d1) -> (0, 0)>
#map1 = affine_map<(d0, d1) -> (0, 0, 0, 0)>
#map2 = affine_map<(d0, d1) -> (0, 0, 0)>
module attributes {stable_mosaic.version = 14 : i64} {
  func.func @_sc_segment_sum(%arg0: i32, %arg1: i32, %arg2: memref<10000x128xf32, #tpu.memory_space<hbm>>, %arg3: memref<320x2x8x128xi32, #tpu.memory_space<hbm>>, %arg4: memref<2x10240x128xf32, #tpu.memory_space<hbm>>, %arg5: memref<10240x128xf32, #tpu.memory_space<vmem_shared>>, %arg6: memref<2x2x8x128xi32, #tpu.memory_space<vmem>>, %arg7: memref<2x128x128xf32, #tpu.memory_space<vmem>>, %arg8: memref<!tpu.dma_semaphore, #tpu.memory_space<semaphore_mem>>, %arg9: memref<!tpu.dma_semaphore, #tpu.memory_space<semaphore_mem>>, %arg10: memref<!tpu.dma_semaphore, #tpu.memory_space<semaphore_mem>>, %arg11: memref<!tpu.dma_semaphore, #tpu.memory_space<semaphore_mem>>, %arg12: memref<!tpu.dma_semaphore, #tpu.memory_space<semaphore_mem>>, %arg13: memref<!tpu.dma_semaphore, #tpu.memory_space<semaphore_mem>>) attributes {dimension_semantics = [#tpu.dimension_semantics<core_parallel>, #tpu.dimension_semantics<subcore_parallel>], iteration_bounds = array<i64: 2, 16>, scalar_prefetch = 0 : i64, scratch_operands = 9 : i64, tpu.core_type = #tpu.core_type<sc_vector_subcore>, window_params = [{transform_indices = #map}, {transform_indices = #map1}, {transform_indices = #map2}]} {
    %mul3A = arith.constant 16 : i32
    %mul3A_0 = arith.muli %arg0, %mul3A : i32
    %add3A = arith.addi %mul3A_0, %arg1 : i32
    %mul3A_1 = arith.constant 10 : i32
    %mul3A_2 = arith.muli %add3A, %mul3A_1 : i32
    %add3A_3 = arith.constant 0 : i32
    %add3A_4 = arith.addi %mul3A_2, %add3A_3 : i32
    %dma_start3A = arith.constant 0 : i32
    %dma_start3A_5 = arith.constant 0 : i32
    %dma_start3A_6 = arith.constant 0 : i32
    %dma_start3A_7 = arith.constant 0 : i32
    %dma_start3A_8 = tpu.memref_slice %arg6[%dma_start3A, %dma_start3A_5, %dma_start3A_6, %dma_start3A_7] : memref<2x2x8x128xi32, #tpu.memory_space<vmem>> -> memref<1x2x8x128xi32, #tpu.memory_space<vmem>>
    %dma_start3A_9 = tpu.memref_squeeze %dma_start3A_8 : memref<1x2x8x128xi32, #tpu.memory_space<vmem>> -> memref<2x8x128xi32, #tpu.memory_space<vmem>>
    %dma_start3A_10 = arith.constant 0 : i32
    %dma_start3A_11 = arith.constant 0 : i32
    %dma_start3A_12 = arith.constant 0 : i32
    %dma_start3A_13 = tpu.memref_slice %arg3[%add3A_4, %dma_start3A_10, %dma_start3A_11, %dma_start3A_12] : memref<320x2x8x128xi32, #tpu.memory_space<hbm>> -> memref<1x2x8x128xi32, #tpu.memory_space<hbm>>
    %dma_start3A_14 = tpu.memref_squeeze %dma_start3A_13 : memref<1x2x8x128xi32, #tpu.memory_space<hbm>> -> memref<2x8x128xi32, #tpu.memory_space<hbm>>
    %dma_start3A_15 = arith.constant 0 : i32
    %dma_start3A_16 = arith.constant 0 : i32
    %dma_start3A_17 = arith.constant 0 : i32
    %dma_start3A_18 = tpu.memref_slice %arg6[%dma_start3A, %dma_start3A_15, %dma_start3A_16, %dma_start3A_17] : memref<2x2x8x128xi32, #tpu.memory_space<vmem>> -> memref<1x2x8x128xi32, #tpu.memory_space<vmem>>
    %dma_start3A_19 = tpu.memref_squeeze %dma_start3A_18 : memref<1x2x8x128xi32, #tpu.memory_space<vmem>> -> memref<2x8x128xi32, #tpu.memory_space<vmem>>
    %dma_start3A_20 = arith.constant 0 : i32
    %dma_start3A_21 = arith.constant 0 : i32
    %dma_start3A_22 = arith.constant 0 : i32
    %dma_start3A_23 = tpu.memref_slice %arg3[%add3A_4, %dma_start3A_20, %dma_start3A_21, %dma_start3A_22] : memref<320x2x8x128xi32, #tpu.memory_space<hbm>> -> memref<1x2x8x128xi32, #tpu.memory_space<hbm>>
    %dma_start3A_24 = tpu.memref_squeeze %dma_start3A_23 : memref<1x2x8x128xi32, #tpu.memory_space<hbm>> -> memref<2x8x128xi32, #tpu.memory_space<hbm>>
    tpu.enqueue_dma source(%dma_start3A_24 : memref<2x8x128xi32, #tpu.memory_space<hbm>>) target(%dma_start3A_19 : memref<2x8x128xi32, #tpu.memory_space<vmem>>) target_semaphore(%arg12 : memref<!tpu.dma_semaphore, #tpu.memory_space<semaphore_mem>>)
    %add3A_25 = arith.constant 1 : i32
    %add3A_26 = arith.addi %mul3A_2, %add3A_25 : i32
    %dma_start3A_27 = arith.constant 1 : i32
    %dma_start3A_28 = arith.constant 0 : i32
    %dma_start3A_29 = arith.constant 0 : i32
    %dma_start3A_30 = arith.constant 0 : i32
    %dma_start3A_31 = tpu.memref_slice %arg6[%dma_start3A_27, %dma_start3A_28, %dma_start3A_29, %dma_start3A_30] : memref<2x2x8x128xi32, #tpu.memory_space<vmem>> -> memref<1x2x8x128xi32, #tpu.memory_space<vmem>>
    %dma_start3A_32 = tpu.memref_squeeze %dma_start3A_31 : memref<1x2x8x128xi32, #tpu.memory_space<vmem>> -> memref<2x8x128xi32, #tpu.memory_space<vmem>>
    %dma_start3A_33 = arith.constant 0 : i32
    %dma_start3A_34 = arith.constant 0 : i32
    %dma_start3A_35 = arith.constant 0 : i32
    %dma_start3A_36 = tpu.memref_slice %arg3[%add3A_26, %dma_start3A_33, %dma_start3A_34, %dma_start3A_35] : memref<320x2x8x128xi32, #tpu.memory_space<hbm>> -> memref<1x2x8x128xi32, #tpu.memory_space<hbm>>
    %dma_start3A_37 = tpu.memref_squeeze %dma_start3A_36 : memref<1x2x8x128xi32, #tpu.memory_space<hbm>> -> memref<2x8x128xi32, #tpu.memory_space<hbm>>
    %dma_start3A_38 = arith.constant 0 : i32
    %dma_start3A_39 = arith.constant 0 : i32
    %dma_start3A_40 = arith.constant 0 : i32
    %dma_start3A_41 = tpu.memref_slice %arg6[%dma_start3A_27, %dma_start3A_38, %dma_start3A_39, %dma_start3A_40] : memref<2x2x8x128xi32, #tpu.memory_space<vmem>> -> memref<1x2x8x128xi32, #tpu.memory_space<vmem>>
    %dma_start3A_42 = tpu.memref_squeeze %dma_start3A_41 : memref<1x2x8x128xi32, #tpu.memory_space<vmem>> -> memref<2x8x128xi32, #tpu.memory_space<vmem>>
    %dma_start3A_43 = arith.constant 0 : i32
    %dma_start3A_44 = arith.constant 0 : i32
    %dma_start3A_45 = arith.constant 0 : i32
    %dma_start3A_46 = tpu.memref_slice %arg3[%add3A_26, %dma_start3A_43, %dma_start3A_44, %dma_start3A_45] : memref<320x2x8x128xi32, #tpu.memory_space<hbm>> -> memref<1x2x8x128xi32, #tpu.memory_space<hbm>>
    %dma_start3A_47 = tpu.memref_squeeze %dma_start3A_46 : memref<1x2x8x128xi32, #tpu.memory_space<hbm>> -> memref<2x8x128xi32, #tpu.memory_space<hbm>>
    tpu.enqueue_dma source(%dma_start3A_47 : memref<2x8x128xi32, #tpu.memory_space<hbm>>) target(%dma_start3A_42 : memref<2x8x128xi32, #tpu.memory_space<vmem>>) target_semaphore(%arg13 : memref<!tpu.dma_semaphore, #tpu.memory_space<semaphore_mem>>)
    %broadcast_in_dim3A = arith.constant 0.000000e+00 : f32
    %broadcast_in_dim3A_48 = vector.broadcast %broadcast_in_dim3A : f32 to vector<16xf32>
    %scan3A = arith.constant 0 : i32
    %scan3A_49 = arith.constant 0 : i32
    %scan3A_50 = arith.constant 0 : i32
    %scan3A_51 = arith.constant 128 : i32
    %scan3A_52 = arith.addi %scan3A_50, %scan3A_51 : i32
    %scan3A_53 = arith.constant 1 : i32
    %scan3A_54 = scf.for %scan3A_257 = %scan3A_50 to %scan3A_52 step %scan3A_53 iter_args(%scan3A_258 = %scan3A_49) -> (i32)  : i32 {
      %swap3A = arith.constant 0 : i32
      %swap3A_259 = arith.constant 0 : i32
      %swap3A_260 = tpu.memref_slice %arg7[%scan3A, %swap3A, %swap3A_259] : memref<2x128x128xf32, #tpu.memory_space<vmem>> -> memref<1x128x128xf32, #tpu.memory_space<vmem>>
      %swap3A_261 = tpu.memref_squeeze %swap3A_260 : memref<1x128x128xf32, #tpu.memory_space<vmem>> -> memref<128x128xf32, #tpu.memory_space<vmem>>
      %swap3A_262 = arith.index_cast %scan3A_257 : i32 to index
      %swap3A_263 = arith.constant 0 : index
      %swap3A_264 = tpu.vector_load %swap3A_261[%swap3A_262, %swap3A_263] {strides = array<i32>} : memref<128x128xf32, #tpu.memory_space<vmem>>, vector<1x16xf32>,
      %swap3A_265 = vector.shape_cast %swap3A_264 : vector<1x16xf32> to vector<16xf32>
      %swap3A_266 = vector.shape_cast %broadcast_in_dim3A_48 : vector<16xf32> to vector<1x16xf32>
      tpu.vector_store %swap3A_261[%swap3A_262, %swap3A_263], %swap3A_266 {strides = array<i32>} : memref<128x128xf32, #tpu.memory_space<vmem>>, vector<1x16xf32>,
      %swap3A_267 = arith.constant 0 : i32
      %swap3A_268 = arith.constant 0 : i32
      %swap3A_269 = tpu.memref_slice %arg7[%scan3A, %swap3A_267, %swap3A_268] : memref<2x128x128xf32, #tpu.memory_space<vmem>> -> memref<1x128x128xf32, #tpu.memory_space<vmem>>
      %swap3A_270 = tpu.memref_squeeze %swap3A_269 : memref<1x128x128xf32, #tpu.memory_space<vmem>> -> memref<128x128xf32, #tpu.memory_space<vmem>>
      %swap3A_271 = arith.index_cast %scan3A_257 : i32 to index
      %swap3A_272 = arith.constant 16 : index
      %swap3A_273 = tpu.vector_load %swap3A_270[%swap3A_271, %swap3A_272] {strides = array<i32>} : memref<128x128xf32, #tpu.memory_space<vmem>>, vector<1x16xf32>,
      %swap3A_274 = vector.shape_cast %swap3A_273 : vector<1x16xf32> to vector<16xf32>
      %swap3A_275 = vector.shape_cast %broadcast_in_dim3A_48 : vector<16xf32> to vector<1x16xf32>
      tpu.vector_store %swap3A_270[%swap3A_271, %swap3A_272], %swap3A_275 {strides = array<i32>} : memref<128x128xf32, #tpu.memory_space<vmem>>, vector<1x16xf32>,
      %swap3A_276 = arith.constant 0 : i32
      %swap3A_277 = arith.constant 0 : i32
      %swap3A_278 = tpu.memref_slice %arg7[%scan3A, %swap3A_276, %swap3A_277] : memref<2x128x128xf32, #tpu.memory_space<vmem>> -> memref<1x128x128xf32, #tpu.memory_space<vmem>>
      %swap3A_279 = tpu.memref_squeeze %swap3A_278 : memref<1x128x128xf32, #tpu.memory_space<vmem>> -> memref<128x128xf32, #tpu.memory_space<vmem>>
      %swap3A_280 = arith.index_cast %scan3A_257 : i32 to index
      %swap3A_281 = arith.constant 32 : index
      %swap3A_282 = tpu.vector_load %swap3A_279[%swap3A_280, %swap3A_281] {strides = array<i32>} : memref<128x128xf32, #tpu.memory_space<vmem>>, vector<1x16xf32>,
      %swap3A_283 = vector.shape_cast %swap3A_282 : vector<1x16xf32> to vector<16xf32>
      %swap3A_284 = vector.shape_cast %broadcast_in_dim3A_48 : vector<16xf32> to vector<1x16xf32>
      tpu.vector_store %swap3A_279[%swap3A_280, %swap3A_281], %swap3A_284 {strides = array<i32>} : memref<128x128xf32, #tpu.memory_space<vmem>>, vector<1x16xf32>,
      %swap3A_285 = arith.constant 0 : i32
      %swap3A_286 = arith.constant 0 : i32
      %swap3A_287 = tpu.memref_slice %arg7[%scan3A, %swap3A_285, %swap3A_286] : memref<2x128x128xf32, #tpu.memory_space<vmem>> -> memref<1x128x128xf32, #tpu.memory_space<vmem>>
      %swap3A_288 = tpu.memref_squeeze %swap3A_287 : memref<1x128x128xf32, #tpu.memory_space<vmem>> -> memref<128x128xf32, #tpu.memory_space<vmem>>
      %swap3A_289 = arith.index_cast %scan3A_257 : i32 to index
      %swap3A_290 = arith.constant 48 : index
      %swap3A_291 = tpu.vector_load %swap3A_288[%swap3A_289, %swap3A_290] {strides = array<i32>} : memref<128x128xf32, #tpu.memory_space<vmem>>, vector<1x16xf32>,
      %swap3A_292 = vector.shape_cast %swap3A_291 : vector<1x16xf32> to vector<16xf32>
      %swap3A_293 = vector.shape_cast %broadcast_in_dim3A_48 : vector<16xf32> to vector<1x16xf32>
      tpu.vector_store %swap3A_288[%swap3A_289, %swap3A_290], %swap3A_293 {strides = array<i32>} : memref<128x128xf32, #tpu.memory_space<vmem>>, vector<1x16xf32>,
      %swap3A_294 = arith.constant 0 : i32
      %swap3A_295 = arith.constant 0 : i32
      %swap3A_296 = tpu.memref_slice %arg7[%scan3A, %swap3A_294, %swap3A_295] : memref<2x128x128xf32, #tpu.memory_space<vmem>> -> memref<1x128x128xf32, #tpu.memory_space<vmem>>
      %swap3A_297 = tpu.memref_squeeze %swap3A_296 : memref<1x128x128xf32, #tpu.memory_space<vmem>> -> memref<128x128xf32, #tpu.memory_space<vmem>>
      %swap3A_298 = arith.index_cast %scan3A_257 : i32 to index
      %swap3A_299 = arith.constant 64 : index
      %swap3A_300 = tpu.vector_load %swap3A_297[%swap3A_298, %swap3A_299] {strides = array<i32>} : memref<128x128xf32, #tpu.memory_space<vmem>>, vector<1x16xf32>,
      %swap3A_301 = vector.shape_cast %swap3A_300 : vector<1x16xf32> to vector<16xf32>
      %swap3A_302 = vector.shape_cast %broadcast_in_dim3A_48 : vector<16xf32> to vector<1x16xf32>
      tpu.vector_store %swap3A_297[%swap3A_298, %swap3A_299], %swap3A_302 {strides = array<i32>} : memref<128x128xf32, #tpu.memory_space<vmem>>, vector<1x16xf32>,
      %swap3A_303 = arith.constant 0 : i32
      %swap3A_304 = arith.constant 0 : i32
      %swap3A_305 = tpu.memref_slice %arg7[%scan3A, %swap3A_303, %swap3A_304] : memref<2x128x128xf32, #tpu.memory_space<vmem>> -> memref<1x128x128xf32, #tpu.memory_space<vmem>>
      %swap3A_306 = tpu.memref_squeeze %swap3A_305 : memref<1x128x128xf32, #tpu.memory_space<vmem>> -> memref<128x128xf32, #tpu.memory_space<vmem>>
      %swap3A_307 = arith.index_cast %scan3A_257 : i32 to index
      %swap3A_308 = arith.constant 80 : index
      %swap3A_309 = tpu.vector_load %swap3A_306[%swap3A_307, %swap3A_308] {strides = array<i32>} : memref<128x128xf32, #tpu.memory_space<vmem>>, vector<1x16xf32>,
      %swap3A_310 = vector.shape_cast %swap3A_309 : vector<1x16xf32> to vector<16xf32>
      %swap3A_311 = vector.shape_cast %broadcast_in_dim3A_48 : vector<16xf32> to vector<1x16xf32>
      tpu.vector_store %swap3A_306[%swap3A_307, %swap3A_308], %swap3A_311 {strides = array<i32>} : memref<128x128xf32, #tpu.memory_space<vmem>>, vector<1x16xf32>,
      %swap3A_312 = arith.constant 0 : i32
      %swap3A_313 = arith.constant 0 : i32
      %swap3A_314 = tpu.memref_slice %arg7[%scan3A, %swap3A_312, %swap3A_313] : memref<2x128x128xf32, #tpu.memory_space<vmem>> -> memref<1x128x128xf32, #tpu.memory_space<vmem>>
      %swap3A_315 = tpu.memref_squeeze %swap3A_314 : memref<1x128x128xf32, #tpu.memory_space<vmem>> -> memref<128x128xf32, #tpu.memory_space<vmem>>
      %swap3A_316 = arith.index_cast %scan3A_257 : i32 to index
      %swap3A_317 = arith.constant 96 : index
      %swap3A_318 = tpu.vector_load %swap3A_315[%swap3A_316, %swap3A_317] {strides = array<i32>} : memref<128x128xf32, #tpu.memory_space<vmem>>, vector<1x16xf32>,
      %swap3A_319 = vector.shape_cast %swap3A_318 : vector<1x16xf32> to vector<16xf32>
      %swap3A_320 = vector.shape_cast %broadcast_in_dim3A_48 : vector<16xf32> to vector<1x16xf32>
      tpu.vector_store %swap3A_315[%swap3A_316, %swap3A_317], %swap3A_320 {strides = array<i32>} : memref<128x128xf32, #tpu.memory_space<vmem>>, vector<1x16xf32>,
      %swap3A_321 = arith.constant 0 : i32
      %swap3A_322 = arith.constant 0 : i32
      %swap3A_323 = tpu.memref_slice %arg7[%scan3A, %swap3A_321, %swap3A_322] : memref<2x128x128xf32, #tpu.memory_space<vmem>> -> memref<1x128x128xf32, #tpu.memory_space<vmem>>
      %swap3A_324 = tpu.memref_squeeze %swap3A_323 : memref<1x128x128xf32, #tpu.memory_space<vmem>> -> memref<128x128xf32, #tpu.memory_space<vmem>>
      %swap3A_325 = arith.index_cast %scan3A_257 : i32 to index
      %swap3A_326 = arith.constant 112 : index
      %swap3A_327 = tpu.vector_load %swap3A_324[%swap3A_325, %swap3A_326] {strides = array<i32>} : memref<128x128xf32, #tpu.memory_space<vmem>>, vector<1x16xf32>,
      %swap3A_328 = vector.shape_cast %swap3A_327 : vector<1x16xf32> to vector<16xf32>
      %swap3A_329 = vector.shape_cast %broadcast_in_dim3A_48 : vector<16xf32> to vector<1x16xf32>
      tpu.vector_store %swap3A_324[%swap3A_325, %swap3A_326], %swap3A_329 {strides = array<i32>} : memref<128x128xf32, #tpu.memory_space<vmem>>, vector<1x16xf32>,
      %scan3A_330 = arith.constant 0 : i32
      scf.yield %scan3A_330 : i32
    }
    %scan3A_55 = arith.constant 128 : i32
    %mul3A_56 = arith.constant 640 : i32
    %mul3A_57 = arith.muli %arg1, %mul3A_56 : i32
    %add3A_58 = arith.constant 0 : i32
    %add3A_59 = arith.addi %mul3A_57, %add3A_58 : i32
    %dma_start3A_60 = arith.constant 0 : i32
    %dma_start3A_61 = arith.constant 0 : i32
    %dma_start3A_62 = arith.constant 0 : i32
    %dma_start3A_63 = tpu.memref_slice %arg7[%dma_start3A_60, %dma_start3A_61, %dma_start3A_62] : memref<2x128x128xf32, #tpu.memory_space<vmem>> -> memref<1x128x128xf32, #tpu.memory_space<vmem>>
    %dma_start3A_64 = tpu.memref_squeeze %dma_start3A_63 : memref<1x128x128xf32, #tpu.memory_space<vmem>> -> memref<128x128xf32, #tpu.memory_space<vmem>>
    %dma_start3A_65 = arith.constant 0 : i32
    %dma_start3A_66 = tpu.memref_slice %arg5[%add3A_59, %dma_start3A_65] : memref<10240x128xf32, #tpu.memory_space<vmem_shared>> -> memref<128x128xf32, #tpu.memory_space<vmem_shared>>
    %dma_start3A_67 = arith.constant 0 : i32
    %dma_start3A_68 = tpu.memref_slice %arg5[%add3A_59, %dma_start3A_67] : memref<10240x128xf32, #tpu.memory_space<vmem_shared>> -> memref<128x128xf32, #tpu.memory_space<vmem_shared>>
    %dma_start3A_69 = arith.constant 0 : i32
    %dma_start3A_70 = arith.constant 0 : i32
    %dma_start3A_71 = tpu.memref_slice %arg7[%dma_start3A_60, %dma_start3A_69, %dma_start3A_70] : memref<2x128x128xf32, #tpu.memory_space<vmem>> -> memref<1x128x128xf32, #tpu.memory_space<vmem>>
    %dma_start3A_72 = tpu.memref_squeeze %dma_start3A_71 : memref<1x128x128xf32, #tpu.memory_space<vmem>> -> memref<128x128xf32, #tpu.memory_space<vmem>>
    tpu.enqueue_dma source(%dma_start3A_72 : memref<128x128xf32, #tpu.memory_space<vmem>>) target(%dma_start3A_68 : memref<128x128xf32, #tpu.memory_space<vmem_shared>>) target_semaphore(%arg8 : memref<!tpu.dma_semaphore, #tpu.memory_space<semaphore_mem>>)
    %add3A_73 = arith.constant 128 : i32
    %add3A_74 = arith.addi %mul3A_57, %add3A_73 : i32
    %dma_start3A_75 = arith.constant 0 : i32
    %dma_start3A_76 = arith.constant 0 : i32
    %dma_start3A_77 = arith.constant 0 : i32
    %dma_start3A_78 = tpu.memref_slice %arg7[%dma_start3A_75, %dma_start3A_76, %dma_start3A_77] : memref<2x128x128xf32, #tpu.memory_space<vmem>> -> memref<1x128x128xf32, #tpu.memory_space<vmem>>
    %dma_start3A_79 = tpu.memref_squeeze %dma_start3A_78 : memref<1x128x128xf32, #tpu.memory_space<vmem>> -> memref<128x128xf32, #tpu.memory_space<vmem>>
    %dma_start3A_80 = arith.constant 0 : i32
    %dma_start3A_81 = tpu.memref_slice %arg5[%add3A_74, %dma_start3A_80] : memref<10240x128xf32, #tpu.memory_space<vmem_shared>> -> memref<128x128xf32, #tpu.memory_space<vmem_shared>>
    %dma_start3A_82 = arith.constant 0 : i32
    %dma_start3A_83 = tpu.memref_slice %arg5[%add3A_74, %dma_start3A_82] : memref<10240x128xf32, #tpu.memory_space<vmem_shared>> -> memref<128x128xf32, #tpu.memory_space<vmem_shared>>
    %dma_start3A_84 = arith.constant 0 : i32
    %dma_start3A_85 = arith.constant 0 : i32
    %dma_start3A_86 = tpu.memref_slice %arg7[%dma_start3A_75, %dma_start3A_84, %dma_start3A_85] : memref<2x128x128xf32, #tpu.memory_space<vmem>> -> memref<1x128x128xf32, #tpu.memory_space<vmem>>
    %dma_start3A_87 = tpu.memref_squeeze %dma_start3A_86 : memref<1x128x128xf32, #tpu.memory_space<vmem>> -> memref<128x128xf32, #tpu.memory_space<vmem>>
    tpu.enqueue_dma source(%dma_start3A_87 : memref<128x128xf32, #tpu.memory_space<vmem>>) target(%dma_start3A_83 : memref<128x128xf32, #tpu.memory_space<vmem_shared>>) target_semaphore(%arg9 : memref<!tpu.dma_semaphore, #tpu.memory_space<semaphore_mem>>)
    %add3A_88 = arith.constant 256 : i32
    %add3A_89 = arith.addi %mul3A_57, %add3A_88 : i32
    %dma_start3A_90 = arith.constant 0 : i32
    %dma_start3A_91 = arith.constant 0 : i32
    %dma_start3A_92 = arith.constant 0 : i32
    %dma_start3A_93 = tpu.memref_slice %arg7[%dma_start3A_90, %dma_start3A_91, %dma_start3A_92] : memref<2x128x128xf32, #tpu.memory_space<vmem>> -> memref<1x128x128xf32, #tpu.memory_space<vmem>>
    %dma_start3A_94 = tpu.memref_squeeze %dma_start3A_93 : memref<1x128x128xf32, #tpu.memory_space<vmem>> -> memref<128x128xf32, #tpu.memory_space<vmem>>
    %dma_start3A_95 = arith.constant 0 : i32
    %dma_start3A_96 = tpu.memref_slice %arg5[%add3A_89, %dma_start3A_95] : memref<10240x128xf32, #tpu.memory_space<vmem_shared>> -> memref<128x128xf32, #tpu.memory_space<vmem_shared>>
    %dma_start3A_97 = arith.constant 0 : i32
    %dma_start3A_98 = tpu.memref_slice %arg5[%add3A_89, %dma_start3A_97] : memref<10240x128xf32, #tpu.memory_space<vmem_shared>> -> memref<128x128xf32, #tpu.memory_space<vmem_shared>>
    %dma_start3A_99 = arith.constant 0 : i32
    %dma_start3A_100 = arith.constant 0 : i32
    %dma_start3A_101 = tpu.memref_slice %arg7[%dma_start3A_90, %dma_start3A_99, %dma_start3A_100] : memref<2x128x128xf32, #tpu.memory_space<vmem>> -> memref<1x128x128xf32, #tpu.memory_space<vmem>>
    %dma_start3A_102 = tpu.memref_squeeze %dma_start3A_101 : memref<1x128x128xf32, #tpu.memory_space<vmem>> -> memref<128x128xf32, #tpu.memory_space<vmem>>
    tpu.enqueue_dma source(%dma_start3A_102 : memref<128x128xf32, #tpu.memory_space<vmem>>) target(%dma_start3A_98 : memref<128x128xf32, #tpu.memory_space<vmem_shared>>) target_semaphore(%arg8 : memref<!tpu.dma_semaphore, #tpu.memory_space<semaphore_mem>>)
    %add3A_103 = arith.constant 384 : i32
    %add3A_104 = arith.addi %mul3A_57, %add3A_103 : i32
    %dma_start3A_105 = arith.constant 0 : i32
    %dma_start3A_106 = arith.constant 0 : i32
    %dma_start3A_107 = arith.constant 0 : i32
    %dma_start3A_108 = tpu.memref_slice %arg7[%dma_start3A_105, %dma_start3A_106, %dma_start3A_107] : memref<2x128x128xf32, #tpu.memory_space<vmem>> -> memref<1x128x128xf32, #tpu.memory_space<vmem>>
    %dma_start3A_109 = tpu.memref_squeeze %dma_start3A_108 : memref<1x128x128xf32, #tpu.memory_space<vmem>> -> memref<128x128xf32, #tpu.memory_space<vmem>>
    %dma_start3A_110 = arith.constant 0 : i32
    %dma_start3A_111 = tpu.memref_slice %arg5[%add3A_104, %dma_start3A_110] : memref<10240x128xf32, #tpu.memory_space<vmem_shared>> -> memref<128x128xf32, #tpu.memory_space<vmem_shared>>
    %dma_start3A_112 = arith.constant 0 : i32
    %dma_start3A_113 = tpu.memref_slice %arg5[%add3A_104, %dma_start3A_112] : memref<10240x128xf32, #tpu.memory_space<vmem_shared>> -> memref<128x128xf32, #tpu.memory_space<vmem_shared>>
    %dma_start3A_114 = arith.constant 0 : i32
    %dma_start3A_115 = arith.constant 0 : i32
    %dma_start3A_116 = tpu.memref_slice %arg7[%dma_start3A_105, %dma_start3A_114, %dma_start3A_115] : memref<2x128x128xf32, #tpu.memory_space<vmem>> -> memref<1x128x128xf32, #tpu.memory_space<vmem>>
    %dma_start3A_117 = tpu.memref_squeeze %dma_start3A_116 : memref<1x128x128xf32, #tpu.memory_space<vmem>> -> memref<128x128xf32, #tpu.memory_space<vmem>>
    tpu.enqueue_dma source(%dma_start3A_117 : memref<128x128xf32, #tpu.memory_space<vmem>>) target(%dma_start3A_113 : memref<128x128xf32, #tpu.memory_space<vmem_shared>>) target_semaphore(%arg9 : memref<!tpu.dma_semaphore, #tpu.memory_space<semaphore_mem>>)
    %add3A_118 = arith.constant 512 : i32
    %add3A_119 = arith.addi %mul3A_57, %add3A_118 : i32
    %dma_start3A_120 = arith.constant 0 : i32
    %dma_start3A_121 = arith.constant 0 : i32
    %dma_start3A_122 = arith.constant 0 : i32
    %dma_start3A_123 = tpu.memref_slice %arg7[%dma_start3A_120, %dma_start3A_121, %dma_start3A_122] : memref<2x128x128xf32, #tpu.memory_space<vmem>> -> memref<1x128x128xf32, #tpu.memory_space<vmem>>
    %dma_start3A_124 = tpu.memref_squeeze %dma_start3A_123 : memref<1x128x128xf32, #tpu.memory_space<vmem>> -> memref<128x128xf32, #tpu.memory_space<vmem>>
    %dma_start3A_125 = arith.constant 0 : i32
    %dma_start3A_126 = tpu.memref_slice %arg5[%add3A_119, %dma_start3A_125] : memref<10240x128xf32, #tpu.memory_space<vmem_shared>> -> memref<128x128xf32, #tpu.memory_space<vmem_shared>>
    %dma_start3A_127 = arith.constant 0 : i32
    %dma_start3A_128 = tpu.memref_slice %arg5[%add3A_119, %dma_start3A_127] : memref<10240x128xf32, #tpu.memory_space<vmem_shared>> -> memref<128x128xf32, #tpu.memory_space<vmem_shared>>
    %dma_start3A_129 = arith.constant 0 : i32
    %dma_start3A_130 = arith.constant 0 : i32
    %dma_start3A_131 = tpu.memref_slice %arg7[%dma_start3A_120, %dma_start3A_129, %dma_start3A_130] : memref<2x128x128xf32, #tpu.memory_space<vmem>> -> memref<1x128x128xf32, #tpu.memory_space<vmem>>
    %dma_start3A_132 = tpu.memref_squeeze %dma_start3A_131 : memref<1x128x128xf32, #tpu.memory_space<vmem>> -> memref<128x128xf32, #tpu.memory_space<vmem>>
    tpu.enqueue_dma source(%dma_start3A_132 : memref<128x128xf32, #tpu.memory_space<vmem>>) target(%dma_start3A_128 : memref<128x128xf32, #tpu.memory_space<vmem_shared>>) target_semaphore(%arg8 : memref<!tpu.dma_semaphore, #tpu.memory_space<semaphore_mem>>)
    %dma_wait3A = arith.constant 0 : i32
    %dma_wait3A_133 = arith.constant 0 : i32
    %dma_wait3A_134 = arith.constant 0 : i32
    %dma_wait3A_135 = tpu.memref_slice %arg7[%dma_wait3A, %dma_wait3A_133, %dma_wait3A_134] : memref<2x128x128xf32, #tpu.memory_space<vmem>> -> memref<1x128x128xf32, #tpu.memory_space<vmem>>
    %dma_wait3A_136 = tpu.memref_squeeze %dma_wait3A_135 : memref<1x128x128xf32, #tpu.memory_space<vmem>> -> memref<128x128xf32, #tpu.memory_space<vmem>>
    %dma_wait3A_137 = arith.constant 0 : i32
    %dma_wait3A_138 = tpu.memref_slice %arg5[%add3A_59, %dma_wait3A_137] : memref<10240x128xf32, #tpu.memory_space<vmem_shared>> -> memref<128x128xf32, #tpu.memory_space<vmem_shared>>
    %dma_wait3A_139 = arith.constant 0 : i32
    %dma_wait3A_140 = tpu.memref_slice %arg5[%add3A_59, %dma_wait3A_139] : memref<10240x128xf32, #tpu.memory_space<vmem_shared>> -> memref<128x128xf32, #tpu.memory_space<vmem_shared>>
    %dma_wait3A_141 = arith.constant 0 : i32
    %dma_wait3A_142 = arith.constant 0 : i32
    %dma_wait3A_143 = tpu.memref_slice %arg7[%dma_wait3A, %dma_wait3A_141, %dma_wait3A_142] : memref<2x128x128xf32, #tpu.memory_space<vmem>> -> memref<1x128x128xf32, #tpu.memory_space<vmem>>
    %dma_wait3A_144 = tpu.memref_squeeze %dma_wait3A_143 : memref<1x128x128xf32, #tpu.memory_space<vmem>> -> memref<128x128xf32, #tpu.memory_space<vmem>>
    tpu.wait_dma2 semaphore(%arg8 : memref<!tpu.dma_semaphore, #tpu.memory_space<semaphore_mem>>) src(%dma_wait3A_144 : memref<128x128xf32, #tpu.memory_space<vmem>>) dst(%dma_wait3A_140 : memref<128x128xf32, #tpu.memory_space<vmem_shared>>)
    %dma_wait3A_145 = arith.constant 0 : i32
    %dma_wait3A_146 = arith.constant 0 : i32
    %dma_wait3A_147 = arith.constant 0 : i32
    %dma_wait3A_148 = tpu.memref_slice %arg7[%dma_wait3A_145, %dma_wait3A_146, %dma_wait3A_147] : memref<2x128x128xf32, #tpu.memory_space<vmem>> -> memref<1x128x128xf32, #tpu.memory_space<vmem>>
    %dma_wait3A_149 = tpu.memref_squeeze %dma_wait3A_148 : memref<1x128x128xf32, #tpu.memory_space<vmem>> -> memref<128x128xf32, #tpu.memory_space<vmem>>
    %dma_wait3A_150 = arith.constant 0 : i32
    %dma_wait3A_151 = tpu.memref_slice %arg5[%add3A_74, %dma_wait3A_150] : memref<10240x128xf32, #tpu.memory_space<vmem_shared>> -> memref<128x128xf32, #tpu.memory_space<vmem_shared>>
    %dma_wait3A_152 = arith.constant 0 : i32
    %dma_wait3A_153 = tpu.memref_slice %arg5[%add3A_74, %dma_wait3A_152] : memref<10240x128xf32, #tpu.memory_space<vmem_shared>> -> memref<128x128xf32, #tpu.memory_space<vmem_shared>>
    %dma_wait3A_154 = arith.constant 0 : i32
    %dma_wait3A_155 = arith.constant 0 : i32
    %dma_wait3A_156 = tpu.memref_slice %arg7[%dma_wait3A_145, %dma_wait3A_154, %dma_wait3A_155] : memref<2x128x128xf32, #tpu.memory_space<vmem>> -> memref<1x128x128xf32, #tpu.memory_space<vmem>>
    %dma_wait3A_157 = tpu.memref_squeeze %dma_wait3A_156 : memref<1x128x128xf32, #tpu.memory_space<vmem>> -> memref<128x128xf32, #tpu.memory_space<vmem>>
    tpu.wait_dma2 semaphore(%arg9 : memref<!tpu.dma_semaphore, #tpu.memory_space<semaphore_mem>>) src(%dma_wait3A_157 : memref<128x128xf32, #tpu.memory_space<vmem>>) dst(%dma_wait3A_153 : memref<128x128xf32, #tpu.memory_space<vmem_shared>>)
    %dma_wait3A_158 = arith.constant 0 : i32
    %dma_wait3A_159 = arith.constant 0 : i32
    %dma_wait3A_160 = arith.constant 0 : i32
    %dma_wait3A_161 = tpu.memref_slice %arg7[%dma_wait3A_158, %dma_wait3A_159, %dma_wait3A_160] : memref<2x128x128xf32, #tpu.memory_space<vmem>> -> memref<1x128x128xf32, #tpu.memory_space<vmem>>
    %dma_wait3A_162 = tpu.memref_squeeze %dma_wait3A_161 : memref<1x128x128xf32, #tpu.memory_space<vmem>> -> memref<128x128xf32, #tpu.memory_space<vmem>>
    %dma_wait3A_163 = arith.constant 0 : i32
    %dma_wait3A_164 = tpu.memref_slice %arg5[%add3A_89, %dma_wait3A_163] : memref<10240x128xf32, #tpu.memory_space<vmem_shared>> -> memref<128x128xf32, #tpu.memory_space<vmem_shared>>
    %dma_wait3A_165 = arith.constant 0 : i32
    %dma_wait3A_166 = tpu.memref_slice %arg5[%add3A_89, %dma_wait3A_165] : memref<10240x128xf32, #tpu.memory_space<vmem_shared>> -> memref<128x128xf32, #tpu.memory_space<vmem_shared>>
    %dma_wait3A_167 = arith.constant 0 : i32
    %dma_wait3A_168 = arith.constant 0 : i32
    %dma_wait3A_169 = tpu.memref_slice %arg7[%dma_wait3A_158, %dma_wait3A_167, %dma_wait3A_168] : memref<2x128x128xf32, #tpu.memory_space<vmem>> -> memref<1x128x128xf32, #tpu.memory_space<vmem>>
    %dma_wait3A_170 = tpu.memref_squeeze %dma_wait3A_169 : memref<1x128x128xf32, #tpu.memory_space<vmem>> -> memref<128x128xf32, #tpu.memory_space<vmem>>
    tpu.wait_dma2 semaphore(%arg8 : memref<!tpu.dma_semaphore, #tpu.memory_space<semaphore_mem>>) src(%dma_wait3A_170 : memref<128x128xf32, #tpu.memory_space<vmem>>) dst(%dma_wait3A_166 : memref<128x128xf32, #tpu.memory_space<vmem_shared>>)
    %dma_wait3A_171 = arith.constant 0 : i32
    %dma_wait3A_172 = arith.constant 0 : i32
    %dma_wait3A_173 = arith.constant 0 : i32
    %dma_wait3A_174 = tpu.memref_slice %arg7[%dma_wait3A_171, %dma_wait3A_172, %dma_wait3A_173] : memref<2x128x128xf32, #tpu.memory_space<vmem>> -> memref<1x128x128xf32, #tpu.memory_space<vmem>>
    %dma_wait3A_175 = tpu.memref_squeeze %dma_wait3A_174 : memref<1x128x128xf32, #tpu.memory_space<vmem>> -> memref<128x128xf32, #tpu.memory_space<vmem>>
    %dma_wait3A_176 = arith.constant 0 : i32
    %dma_wait3A_177 = tpu.memref_slice %arg5[%add3A_104, %dma_wait3A_176] : memref<10240x128xf32, #tpu.memory_space<vmem_shared>> -> memref<128x128xf32, #tpu.memory_space<vmem_shared>>
    %dma_wait3A_178 = arith.constant 0 : i32
    %dma_wait3A_179 = tpu.memref_slice %arg5[%add3A_104, %dma_wait3A_178] : memref<10240x128xf32, #tpu.memory_space<vmem_shared>> -> memref<128x128xf32, #tpu.memory_space<vmem_shared>>
    %dma_wait3A_180 = arith.constant 0 : i32
    %dma_wait3A_181 = arith.constant 0 : i32
    %dma_wait3A_182 = tpu.memref_slice %arg7[%dma_wait3A_171, %dma_wait3A_180, %dma_wait3A_181] : memref<2x128x128xf32, #tpu.memory_space<vmem>> -> memref<1x128x128xf32, #tpu.memory_space<vmem>>
    %dma_wait3A_183 = tpu.memref_squeeze %dma_wait3A_182 : memref<1x128x128xf32, #tpu.memory_space<vmem>> -> memref<128x128xf32, #tpu.memory_space<vmem>>
    tpu.wait_dma2 semaphore(%arg9 : memref<!tpu.dma_semaphore, #tpu.memory_space<semaphore_mem>>) src(%dma_wait3A_183 : memref<128x128xf32, #tpu.memory_space<vmem>>) dst(%dma_wait3A_179 : memref<128x128xf32, #tpu.memory_space<vmem_shared>>)
    %dma_wait3A_184 = arith.constant 0 : i32
    %dma_wait3A_185 = arith.constant 0 : i32
    %dma_wait3A_186 = arith.constant 0 : i32
    %dma_wait3A_187 = tpu.memref_slice %arg7[%dma_wait3A_184, %dma_wait3A_185, %dma_wait3A_186] : memref<2x128x128xf32, #tpu.memory_space<vmem>> -> memref<1x128x128xf32, #tpu.memory_space<vmem>>
    %dma_wait3A_188 = tpu.memref_squeeze %dma_wait3A_187 : memref<1x128x128xf32, #tpu.memory_space<vmem>> -> memref<128x128xf32, #tpu.memory_space<vmem>>
    %dma_wait3A_189 = arith.constant 0 : i32
    %dma_wait3A_190 = tpu.memref_slice %arg5[%add3A_119, %dma_wait3A_189] : memref<10240x128xf32, #tpu.memory_space<vmem_shared>> -> memref<128x128xf32, #tpu.memory_space<vmem_shared>>
    %dma_wait3A_191 = arith.constant 0 : i32
    %dma_wait3A_192 = tpu.memref_slice %arg5[%add3A_119, %dma_wait3A_191] : memref<10240x128xf32, #tpu.memory_space<vmem_shared>> -> memref<128x128xf32, #tpu.memory_space<vmem_shared>>
    %dma_wait3A_193 = arith.constant 0 : i32
    %dma_wait3A_194 = arith.constant 0 : i32
    %dma_wait3A_195 = tpu.memref_slice %arg7[%dma_wait3A_184, %dma_wait3A_193, %dma_wait3A_194] : memref<2x128x128xf32, #tpu.memory_space<vmem>> -> memref<1x128x128xf32, #tpu.memory_space<vmem>>
    %dma_wait3A_196 = tpu.memref_squeeze %dma_wait3A_195 : memref<1x128x128xf32, #tpu.memory_space<vmem>> -> memref<128x128xf32, #tpu.memory_space<vmem>>
    tpu.wait_dma2 semaphore(%arg8 : memref<!tpu.dma_semaphore, #tpu.memory_space<semaphore_mem>>) src(%dma_wait3A_196 : memref<128x128xf32, #tpu.memory_space<vmem>>) dst(%dma_wait3A_192 : memref<128x128xf32, #tpu.memory_space<vmem_shared>>)
    %barrier3A = arith.constant 0 : index
    tpu.barrier barrier_id(%barrier3A)
    %dma_wait3A_197 = arith.constant 0 : i32
    %dma_wait3A_198 = arith.constant 0 : i32
    %dma_wait3A_199 = arith.constant 0 : i32
    %dma_wait3A_200 = arith.constant 0 : i32
    %dma_wait3A_201 = arith.constant 0 : i32
    %dma_wait3A_202 = tpu.memref_slice %arg6[%dma_wait3A_198, %dma_wait3A_199, %dma_wait3A_200, %dma_wait3A_201] : memref<2x2x8x128xi32, #tpu.memory_space<vmem>> -> memref<1x2x8x128xi32, #tpu.memory_space<vmem>>
    %dma_wait3A_203 = tpu.memref_squeeze %dma_wait3A_202 : memref<1x2x8x128xi32, #tpu.memory_space<vmem>> -> memref<2x8x128xi32, #tpu.memory_space<vmem>>
    %dma_wait3A_204 = arith.constant 0 : i32
    %dma_wait3A_205 = arith.constant 0 : i32
    %dma_wait3A_206 = arith.constant 0 : i32
    %dma_wait3A_207 = tpu.memref_slice %arg3[%dma_wait3A_197, %dma_wait3A_204, %dma_wait3A_205, %dma_wait3A_206] : memref<320x2x8x128xi32, #tpu.memory_space<hbm>> -> memref<1x2x8x128xi32, #tpu.memory_space<hbm>>
    %dma_wait3A_208 = tpu.memref_squeeze %dma_wait3A_207 : memref<1x2x8x128xi32, #tpu.memory_space<hbm>> -> memref<2x8x128xi32, #tpu.memory_space<hbm>>
    %dma_wait3A_209 = arith.constant 0 : i32
    %dma_wait3A_210 = arith.constant 0 : i32
    %dma_wait3A_211 = arith.constant 0 : i32
    %dma_wait3A_212 = tpu.memref_slice %arg6[%dma_wait3A_198, %dma_wait3A_209, %dma_wait3A_210, %dma_wait3A_211] : memref<2x2x8x128xi32, #tpu.memory_space<vmem>> -> memref<1x2x8x128xi32, #tpu.memory_space<vmem>>
    %dma_wait3A_213 = tpu.memref_squeeze %dma_wait3A_212 : memref<1x2x8x128xi32, #tpu.memory_space<vmem>> -> memref<2x8x128xi32, #tpu.memory_space<vmem>>
    %dma_wait3A_214 = arith.constant 0 : i32
    %dma_wait3A_215 = arith.constant 0 : i32
    %dma_wait3A_216 = arith.constant 0 : i32
    %dma_wait3A_217 = tpu.memref_slice %arg3[%dma_wait3A_197, %dma_wait3A_214, %dma_wait3A_215, %dma_wait3A_216] : memref<320x2x8x128xi32, #tpu.memory_space<hbm>> -> memref<1x2x8x128xi32, #tpu.memory_space<hbm>>
    %dma_wait3A_218 = tpu.memref_squeeze %dma_wait3A_217 : memref<1x2x8x128xi32, #tpu.memory_space<hbm>> -> memref<2x8x128xi32, #tpu.memory_space<hbm>>
    tpu.wait_dma2 semaphore(%arg12 : memref<!tpu.dma_semaphore, #tpu.memory_space<semaphore_mem>>) src(%dma_wait3A_218 : memref<2x8x128xi32, #tpu.memory_space<hbm>>) dst(%dma_wait3A_213 : memref<2x8x128xi32, #tpu.memory_space<vmem>>)
    %dma_start3A_219 = arith.constant 0 : i32
    %dma_start3A_220 = arith.constant 0 : i32
    %dma_start3A_221 = arith.constant 0 : i32
    %dma_start3A_222 = arith.constant 0 : i32
    %dma_start3A_223 = arith.constant 0 : i32
    %dma_start3A_224 = arith.constant 0 : i32
    %dma_start3A_225 = tpu.memref_slice %arg7[%dma_start3A_222, %dma_start3A_223, %dma_start3A_224] : memref<2x128x128xf32, #tpu.memory_space<vmem>> -> memref<1x128x128xf32, #tpu.memory_space<vmem>>
    %dma_start3A_226 = tpu.memref_squeeze %dma_start3A_225 : memref<1x128x128xf32, #tpu.memory_space<vmem>> -> memref<128x128xf32, #tpu.memory_space<vmem>>
    %dma_start3A_227 = arith.constant 0 : i32
    %dma_start3A_228 = tpu.memref_slice %arg6[%dma_start3A_219, %dma_start3A_220, %dma_start3A_221, %dma_start3A_227] : memref<2x2x8x128xi32, #tpu.memory_space<vmem>> -> memref<1x1x1x128xi32, #tpu.memory_space<vmem>>
    %dma_start3A_229 = tpu.memref_squeeze %dma_start3A_228 : memref<1x1x1x128xi32, #tpu.memory_space<vmem>> -> memref<128xi32, #tpu.memory_space<vmem>>
    %dma_start3A_230 = arith.constant 0 : i32
    %dma_start3A_231 = arith.constant 0 : i32
    %dma_start3A_232 = tpu.memref_slice %arg2[%dma_start3A_230, %dma_start3A_231] : memref<10000x128xf32, #tpu.memory_space<hbm>> -> memref<10000x128xf32, #tpu.memory_space<hbm>>
    tpu.enqueue_indirect_dma source(%dma_start3A_232 : memref<10000x128xf32, #tpu.memory_space<hbm>>) target(%dma_start3A_226 : memref<128x128xf32, #tpu.memory_space<vmem>>) offsets(%dma_start3A_229 : memref<128xi32, #tpu.memory_space<vmem>>) semaphore(%arg8 : memref<!tpu.dma_semaphore, #tpu.memory_space<semaphore_mem>>)
    %dma_start3A_233 = arith.constant 0 : i32
    %dma_start3A_234 = arith.constant 0 : i32
    %dma_start3A_235 = arith.constant 1 : i32
    %dma_start3A_236 = arith.constant 1 : i32
    %dma_start3A_237 = arith.constant 0 : i32
    %dma_start3A_238 = arith.constant 0 : i32
    %dma_start3A_239 = tpu.memref_slice %arg7[%dma_start3A_236, %dma_start3A_237, %dma_start3A_238] : memref<2x128x128xf32, #tpu.memory_space<vmem>> -> memref<1x128x128xf32, #tpu.memory_space<vmem>>
    %dma_start3A_240 = tpu.memref_squeeze %dma_start3A_239 : memref<1x128x128xf32, #tpu.memory_space<vmem>> -> memref<128x128xf32, #tpu.memory_space<vmem>>
    %dma_start3A_241 = arith.constant 0 : i32
    %dma_start3A_242 = tpu.memref_slice %arg6[%dma_start3A_233, %dma_start3A_234, %dma_start3A_235, %dma_start3A_241] : memref<2x2x8x128xi32, #tpu.memory_space<vmem>> -> memref<1x1x1x128xi32, #tpu.memory_space<vmem>>
    %dma_start3A_243 = tpu.memref_squeeze %dma_start3A_242 : memref<1x1x1x128xi32, #tpu.memory_space<vmem>> -> memref<128xi32, #tpu.memory_space<vmem>>
    %dma_start3A_244 = arith.constant 0 : i32
    %dma_start3A_245 = arith.constant 0 : i32
    %dma_start3A_246 = tpu.memref_slice %arg2[%dma_start3A_244, %dma_start3A_245] : memref<10000x128xf32, #tpu.memory_space<hbm>> -> memref<10000x128xf32, #tpu.memory_space<hbm>>
    tpu.enqueue_indirect_dma source(%dma_start3A_246 : memref<10000x128xf32, #tpu.memory_space<hbm>>) target(%dma_start3A_240 : memref<128x128xf32, #tpu.memory_space<vmem>>) offsets(%dma_start3A_243 : memref<128xi32, #tpu.memory_space<vmem>>) semaphore(%arg9 : memref<!tpu.dma_semaphore, #tpu.memory_space<semaphore_mem>>)
    %scan3A_247 = arith.constant 0 : i32
    %scan3A_248 = arith.constant 0 : i32
    %scan3A_249 = arith.constant 5 : i32
    %scan3A_250 = arith.addi %scan3A_248, %scan3A_249 : i32
    %scan3A_251 = arith.constant 1 : i32
    %scan3A_252 = scf.for %scan3A_257 = %scan3A_248 to %scan3A_250 step %scan3A_251 iter_args(%scan3A_258 = %scan3A_247) -> (i32)  : i32 {
      %lt3A = arith.constant 4 : i32
      %lt3A_259 = arith.cmpi slt, %scan3A_257, %lt3A : i32
      %dma_wait3A_260 = arith.constant 0 : i32
      %dma_wait3A_261 = arith.constant 0 : i32
      %dma_wait3A_262 = arith.constant 0 : i32
      %dma_wait3A_263 = tpu.memref_slice %arg7[%dma_wait3A_260, %dma_wait3A_261, %dma_wait3A_262] : memref<2x128x128xf32, #tpu.memory_space<vmem>> -> memref<1x128x128xf32, #tpu.memory_space<vmem>>
      %dma_wait3A_264 = tpu.memref_squeeze %dma_wait3A_263 : memref<1x128x128xf32, #tpu.memory_space<vmem>> -> memref<128x128xf32, #tpu.memory_space<vmem>>
      %dma_wait3A_265 = arith.constant 0 : i32
      %dma_wait3A_266 = arith.constant 0 : i32
      %dma_wait3A_267 = tpu.memref_slice %arg2[%dma_wait3A_265, %dma_wait3A_266] : memref<10000x128xf32, #tpu.memory_space<hbm>> -> memref<128x128xf32, #tpu.memory_space<hbm>>
      %dma_wait3A_268 = arith.constant 0 : i32
      %dma_wait3A_269 = arith.constant 0 : i32
      %dma_wait3A_270 = tpu.memref_slice %arg7[%dma_wait3A_260, %dma_wait3A_268, %dma_wait3A_269] : memref<2x128x128xf32, #tpu.memory_space<vmem>> -> memref<1x128x128xf32, #tpu.memory_space<vmem>>
      %dma_wait3A_271 = tpu.memref_squeeze %dma_wait3A_270 : memref<1x128x128xf32, #tpu.memory_space<vmem>> -> memref<128x128xf32, #tpu.memory_space<vmem>>
      %dma_wait3A_272 = arith.constant 0 : i32
      %dma_wait3A_273 = arith.constant 0 : i32
      %dma_wait3A_274 = tpu.memref_slice %arg2[%dma_wait3A_272, %dma_wait3A_273] : memref<10000x128xf32, #tpu.memory_space<hbm>> -> memref<128x128xf32, #tpu.memory_space<hbm>>
      tpu.wait_dma2 semaphore(%arg8 : memref<!tpu.dma_semaphore, #tpu.memory_space<semaphore_mem>>) src(%dma_wait3A_274 : memref<128x128xf32, #tpu.memory_space<hbm>>) dst(%dma_wait3A_271 : memref<128x128xf32, #tpu.memory_space<vmem>>)
      %dma_start3A_275 = arith.constant 0 : i32
      %dma_start3A_276 = arith.constant 0 : i32
      %dma_start3A_277 = arith.constant 1 : i32
      %dma_start3A_278 = arith.constant 0 : i32
      %dma_start3A_279 = arith.constant 0 : i32
      %dma_start3A_280 = arith.constant 0 : i32
      %dma_start3A_281 = tpu.memref_slice %arg7[%dma_start3A_275, %dma_start3A_279, %dma_start3A_280] : memref<2x128x128xf32, #tpu.memory_space<vmem>> -> memref<1x128x128xf32, #tpu.memory_space<vmem>>
      %dma_start3A_282 = tpu.memref_squeeze %dma_start3A_281 : memref<1x128x128xf32, #tpu.memory_space<vmem>> -> memref<128x128xf32, #tpu.memory_space<vmem>>
      %dma_start3A_283 = arith.constant 0 : i32
      %dma_start3A_284 = tpu.memref_slice %arg6[%dma_start3A_276, %dma_start3A_277, %dma_start3A_278, %dma_start3A_283] : memref<2x2x8x128xi32, #tpu.memory_space<vmem>> -> memref<1x1x1x128xi32, #tpu.memory_space<vmem>>
      %dma_start3A_285 = tpu.memref_squeeze %dma_start3A_284 : memref<1x1x1x128xi32, #tpu.memory_space<vmem>> -> memref<128xi32, #tpu.memory_space<vmem>>
      %dma_start3A_286 = arith.constant 0 : i32
      %dma_start3A_287 = arith.constant 0 : i32
      %dma_start3A_288 = tpu.memref_slice %arg5[%dma_start3A_286, %dma_start3A_287] : memref<10240x128xf32, #tpu.memory_space<vmem_shared>> -> memref<10240x128xf32, #tpu.memory_space<vmem_shared>>
      tpu.enqueue_indirect_dma source(%dma_start3A_282 : memref<128x128xf32, #tpu.memory_space<vmem>>) target(%dma_start3A_288 : memref<10240x128xf32, #tpu.memory_space<vmem_shared>>) offsets(%dma_start3A_285 : memref<128xi32, #tpu.memory_space<vmem>>) semaphore(%arg10 : memref<!tpu.dma_semaphore, #tpu.memory_space<semaphore_mem>>) {add = true}
      %dma_wait3A_289 = arith.constant 0 : i32
      %dma_wait3A_290 = arith.constant 0 : i32
      %dma_wait3A_291 = arith.constant 0 : i32
      %dma_wait3A_292 = tpu.memref_slice %arg7[%dma_wait3A_289, %dma_wait3A_290, %dma_wait3A_291] : memref<2x128x128xf32, #tpu.memory_space<vmem>> -> memref<1x128x128xf32, #tpu.memory_space<vmem>>
      %dma_wait3A_293 = tpu.memref_squeeze %dma_wait3A_292 : memref<1x128x128xf32, #tpu.memory_space<vmem>> -> memref<128x128xf32, #tpu.memory_space<vmem>>
      %dma_wait3A_294 = arith.constant 0 : i32
      %dma_wait3A_295 = arith.constant 0 : i32
      %dma_wait3A_296 = tpu.memref_slice %arg5[%dma_wait3A_294, %dma_wait3A_295] : memref<10240x128xf32, #tpu.memory_space<vmem_shared>> -> memref<128x128xf32, #tpu.memory_space<vmem_shared>>
      %dma_wait3A_297 = arith.constant 0 : i32
      %dma_wait3A_298 = arith.constant 0 : i32
      %dma_wait3A_299 = tpu.memref_slice %arg5[%dma_wait3A_297, %dma_wait3A_298] : memref<10240x128xf32, #tpu.memory_space<vmem_shared>> -> memref<128x128xf32, #tpu.memory_space<vmem_shared>>
      %dma_wait3A_300 = arith.constant 0 : i32
      %dma_wait3A_301 = arith.constant 0 : i32
      %dma_wait3A_302 = tpu.memref_slice %arg7[%dma_wait3A_289, %dma_wait3A_300, %dma_wait3A_301] : memref<2x128x128xf32, #tpu.memory_space<vmem>> -> memref<1x128x128xf32, #tpu.memory_space<vmem>>
      %dma_wait3A_303 = tpu.memref_squeeze %dma_wait3A_302 : memref<1x128x128xf32, #tpu.memory_space<vmem>> -> memref<128x128xf32, #tpu.memory_space<vmem>>
      tpu.wait_dma2 semaphore(%arg10 : memref<!tpu.dma_semaphore, #tpu.memory_space<semaphore_mem>>) src(%dma_wait3A_303 : memref<128x128xf32, #tpu.memory_space<vmem>>) dst(%dma_wait3A_299 : memref<128x128xf32, #tpu.memory_space<vmem_shared>>)
      %dma_start3A_304 = arith.constant 0 : i32
      %dma_start3A_305 = arith.constant 0 : i32
      %dma_start3A_306 = arith.constant 2 : i32
      %dma_start3A_307 = arith.constant 0 : i32
      %dma_start3A_308 = arith.constant 0 : i32
      %dma_start3A_309 = arith.constant 0 : i32
      %dma_start3A_310 = tpu.memref_slice %arg7[%dma_start3A_307, %dma_start3A_308, %dma_start3A_309] : memref<2x128x128xf32, #tpu.memory_space<vmem>> -> memref<1x128x128xf32, #tpu.memory_space<vmem>>
      %dma_start3A_311 = tpu.memref_squeeze %dma_start3A_310 : memref<1x128x128xf32, #tpu.memory_space<vmem>> -> memref<128x128xf32, #tpu.memory_space<vmem>>
      %dma_start3A_312 = arith.constant 0 : i32
      %dma_start3A_313 = tpu.memref_slice %arg6[%dma_start3A_304, %dma_start3A_305, %dma_start3A_306, %dma_start3A_312] : memref<2x2x8x128xi32, #tpu.memory_space<vmem>> -> memref<1x1x1x128xi32, #tpu.memory_space<vmem>>
      %dma_start3A_314 = tpu.memref_squeeze %dma_start3A_313 : memref<1x1x1x128xi32, #tpu.memory_space<vmem>> -> memref<128xi32, #tpu.memory_space<vmem>>
      %dma_start3A_315 = arith.constant 0 : i32
      %dma_start3A_316 = arith.constant 0 : i32
      %dma_start3A_317 = tpu.memref_slice %arg2[%dma_start3A_315, %dma_start3A_316] : memref<10000x128xf32, #tpu.memory_space<hbm>> -> memref<10000x128xf32, #tpu.memory_space<hbm>>
      tpu.enqueue_indirect_dma source(%dma_start3A_317 : memref<10000x128xf32, #tpu.memory_space<hbm>>) target(%dma_start3A_311 : memref<128x128xf32, #tpu.memory_space<vmem>>) offsets(%dma_start3A_314 : memref<128xi32, #tpu.memory_space<vmem>>) semaphore(%arg8 : memref<!tpu.dma_semaphore, #tpu.memory_space<semaphore_mem>>)
      %dma_wait3A_318 = arith.constant 1 : i32
      %dma_wait3A_319 = arith.constant 0 : i32
      %dma_wait3A_320 = arith.constant 0 : i32
      %dma_wait3A_321 = tpu.memref_slice %arg7[%dma_wait3A_318, %dma_wait3A_319, %dma_wait3A_320] : memref<2x128x128xf32, #tpu.memory_space<vmem>> -> memref<1x128x128xf32, #tpu.memory_space<vmem>>
      %dma_wait3A_322 = tpu.memref_squeeze %dma_wait3A_321 : memref<1x128x128xf32, #tpu.memory_space<vmem>> -> memref<128x128xf32, #tpu.memory_space<vmem>>
      %dma_wait3A_323 = arith.constant 0 : i32
      %dma_wait3A_324 = arith.constant 0 : i32
      %dma_wait3A_325 = tpu.memref_slice %arg2[%dma_wait3A_323, %dma_wait3A_324] : memref<10000x128xf32, #tpu.memory_space<hbm>> -> memref<128x128xf32, #tpu.memory_space<hbm>>
      %dma_wait3A_326 = arith.constant 0 : i32
      %dma_wait3A_327 = arith.constant 0 : i32
      %dma_wait3A_328 = tpu.memref_slice %arg7[%dma_wait3A_318, %dma_wait3A_326, %dma_wait3A_327] : memref<2x128x128xf32, #tpu.memory_space<vmem>> -> memref<1x128x128xf32, #tpu.memory_space<vmem>>
      %dma_wait3A_329 = tpu.memref_squeeze %dma_wait3A_328 : memref<1x128x128xf32, #tpu.memory_space<vmem>> -> memref<128x128xf32, #tpu.memory_space<vmem>>
      %dma_wait3A_330 = arith.constant 0 : i32
      %dma_wait3A_331 = arith.constant 0 : i32
      %dma_wait3A_332 = tpu.memref_slice %arg2[%dma_wait3A_330, %dma_wait3A_331] : memref<10000x128xf32, #tpu.memory_space<hbm>> -> memref<128x128xf32, #tpu.memory_space<hbm>>
      tpu.wait_dma2 semaphore(%arg9 : memref<!tpu.dma_semaphore, #tpu.memory_space<semaphore_mem>>) src(%dma_wait3A_332 : memref<128x128xf32, #tpu.memory_space<hbm>>) dst(%dma_wait3A_329 : memref<128x128xf32, #tpu.memory_space<vmem>>)
      %dma_start3A_333 = arith.constant 1 : i32
      %dma_start3A_334 = arith.constant 0 : i32
      %dma_start3A_335 = arith.constant 1 : i32
      %dma_start3A_336 = arith.constant 1 : i32
      %dma_start3A_337 = arith.constant 0 : i32
      %dma_start3A_338 = arith.constant 0 : i32
      %dma_start3A_339 = tpu.memref_slice %arg7[%dma_start3A_333, %dma_start3A_337, %dma_start3A_338] : memref<2x128x128xf32, #tpu.memory_space<vmem>> -> memref<1x128x128xf32, #tpu.memory_space<vmem>>
      %dma_start3A_340 = tpu.memref_squeeze %dma_start3A_339 : memref<1x128x128xf32, #tpu.memory_space<vmem>> -> memref<128x128xf32, #tpu.memory_space<vmem>>
      %dma_start3A_341 = arith.constant 0 : i32
      %dma_start3A_342 = tpu.memref_slice %arg6[%dma_start3A_334, %dma_start3A_335, %dma_start3A_336, %dma_start3A_341] : memref<2x2x8x128xi32, #tpu.memory_space<vmem>> -> memref<1x1x1x128xi32, #tpu.memory_space<vmem>>
      %dma_start3A_343 = tpu.memref_squeeze %dma_start3A_342 : memref<1x1x1x128xi32, #tpu.memory_space<vmem>> -> memref<128xi32, #tpu.memory_space<vmem>>
      %dma_start3A_344 = arith.constant 0 : i32
      %dma_start3A_345 = arith.constant 0 : i32
      %dma_start3A_346 = tpu.memref_slice %arg5[%dma_start3A_344, %dma_start3A_345] : memref<10240x128xf32, #tpu.memory_space<vmem_shared>> -> memref<10240x128xf32, #tpu.memory_space<vmem_shared>>
      tpu.enqueue_indirect_dma source(%dma_start3A_340 : memref<128x128xf32, #tpu.memory_space<vmem>>) target(%dma_start3A_346 : memref<10240x128xf32, #tpu.memory_space<vmem_shared>>) offsets(%dma_start3A_343 : memref<128xi32, #tpu.memory_space<vmem>>) semaphore(%arg11 : memref<!tpu.dma_semaphore, #tpu.memory_space<semaphore_mem>>) {add = true}
      %dma_wait3A_347 = arith.constant 1 : i32
      %dma_wait3A_348 = arith.constant 0 : i32
      %dma_wait3A_349 = arith.constant 0 : i32
      %dma_wait3A_350 = tpu.memref_slice %arg7[%dma_wait3A_347, %dma_wait3A_348, %dma_wait3A_349] : memref<2x128x128xf32, #tpu.memory_space<vmem>> -> memref<1x128x128xf32, #tpu.memory_space<vmem>>
      %dma_wait3A_351 = tpu.memref_squeeze %dma_wait3A_350 : memref<1x128x128xf32, #tpu.memory_space<vmem>> -> memref<128x128xf32, #tpu.memory_space<vmem>>
      %dma_wait3A_352 = arith.constant 0 : i32
      %dma_wait3A_353 = arith.constant 0 : i32
      %dma_wait3A_354 = tpu.memref_slice %arg5[%dma_wait3A_352, %dma_wait3A_353] : memref<10240x128xf32, #tpu.memory_space<vmem_shared>> -> memref<128x128xf32, #tpu.memory_space<vmem_shared>>
      %dma_wait3A_355 = arith.constant 0 : i32
      %dma_wait3A_356 = arith.constant 0 : i32
      %dma_wait3A_357 = tpu.memref_slice %arg5[%dma_wait3A_355, %dma_wait3A_356] : memref<10240x128xf32, #tpu.memory_space<vmem_shared>> -> memref<128x128xf32, #tpu.memory_space<vmem_shared>>
      %dma_wait3A_358 = arith.constant 0 : i32
      %dma_wait3A_359 = arith.constant 0 : i32
      %dma_wait3A_360 = tpu.memref_slice %arg7[%dma_wait3A_347, %dma_wait3A_358, %dma_wait3A_359] : memref<2x128x128xf32, #tpu.memory_space<vmem>> -> memref<1x128x128xf32, #tpu.memory_space<vmem>>
      %dma_wait3A_361 = tpu.memref_squeeze %dma_wait3A_360 : memref<1x128x128xf32, #tpu.memory_space<vmem>> -> memref<128x128xf32, #tpu.memory_space<vmem>>
      tpu.wait_dma2 semaphore(%arg11 : memref<!tpu.dma_semaphore, #tpu.memory_space<semaphore_mem>>) src(%dma_wait3A_361 : memref<128x128xf32, #tpu.memory_space<vmem>>) dst(%dma_wait3A_357 : memref<128x128xf32, #tpu.memory_space<vmem_shared>>)
      %dma_start3A_362 = arith.constant 0 : i32
      %dma_start3A_363 = arith.constant 0 : i32
      %dma_start3A_364 = arith.constant 3 : i32
      %dma_start3A_365 = arith.constant 1 : i32
      %dma_start3A_366 = arith.constant 0 : i32
      %dma_start3A_367 = arith.constant 0 : i32
      %dma_start3A_368 = tpu.memref_slice %arg7[%dma_start3A_365, %dma_start3A_366, %dma_start3A_367] : memref<2x128x128xf32, #tpu.memory_space<vmem>> -> memref<1x128x128xf32, #tpu.memory_space<vmem>>
      %dma_start3A_369 = tpu.memref_squeeze %dma_start3A_368 : memref<1x128x128xf32, #tpu.memory_space<vmem>> -> memref<128x128xf32, #tpu.memory_space<vmem>>
      %dma_start3A_370 = arith.constant 0 : i32
      %dma_start3A_371 = tpu.memref_slice %arg6[%dma_start3A_362, %dma_start3A_363, %dma_start3A_364, %dma_start3A_370] : memref<2x2x8x128xi32, #tpu.memory_space<vmem>> -> memref<1x1x1x128xi32, #tpu.memory_space<vmem>>
      %dma_start3A_372 = tpu.memref_squeeze %dma_start3A_371 : memref<1x1x1x128xi32, #tpu.memory_space<vmem>> -> memref<128xi32, #tpu.memory_space<vmem>>
      %dma_start3A_373 = arith.constant 0 : i32
      %dma_start3A_374 = arith.constant 0 : i32
      %dma_start3A_375 = tpu.memref_slice %arg2[%dma_start3A_373, %dma_start3A_374] : memref<10000x128xf32, #tpu.memory_space<hbm>> -> memref<10000x128xf32, #tpu.memory_space<hbm>>
      tpu.enqueue_indirect_dma source(%dma_start3A_375 : memref<10000x128xf32, #tpu.memory_space<hbm>>) target(%dma_start3A_369 : memref<128x128xf32, #tpu.memory_space<vmem>>) offsets(%dma_start3A_372 : memref<128xi32, #tpu.memory_space<vmem>>) semaphore(%arg9 : memref<!tpu.dma_semaphore, #tpu.memory_space<semaphore_mem>>)
      %dma_wait3A_376 = arith.constant 0 : i32
      %dma_wait3A_377 = arith.constant 0 : i32
      %dma_wait3A_378 = arith.constant 0 : i32
      %dma_wait3A_379 = tpu.memref_slice %arg7[%dma_wait3A_376, %dma_wait3A_377, %dma_wait3A_378] : memref<2x128x128xf32, #tpu.memory_space<vmem>> -> memref<1x128x128xf32, #tpu.memory_space<vmem>>
      %dma_wait3A_380 = tpu.memref_squeeze %dma_wait3A_379 : memref<1x128x128xf32, #tpu.memory_space<vmem>> -> memref<128x128xf32, #tpu.memory_space<vmem>>
      %dma_wait3A_381 = arith.constant 0 : i32
      %dma_wait3A_382 = arith.constant 0 : i32
      %dma_wait3A_383 = tpu.memref_slice %arg2[%dma_wait3A_381, %dma_wait3A_382] : memref<10000x128xf32, #tpu.memory_space<hbm>> -> memref<128x128xf32, #tpu.memory_space<hbm>>
      %dma_wait3A_384 = arith.constant 0 : i32
      %dma_wait3A_385 = arith.constant 0 : i32
      %dma_wait3A_386 = tpu.memref_slice %arg7[%dma_wait3A_376, %dma_wait3A_384, %dma_wait3A_385] : memref<2x128x128xf32, #tpu.memory_space<vmem>> -> memref<1x128x128xf32, #tpu.memory_space<vmem>>
      %dma_wait3A_387 = tpu.memref_squeeze %dma_wait3A_386 : memref<1x128x128xf32, #tpu.memory_space<vmem>> -> memref<128x128xf32, #tpu.memory_space<vmem>>
      %dma_wait3A_388 = arith.constant 0 : i32
      %dma_wait3A_389 = arith.constant 0 : i32
      %dma_wait3A_390 = tpu.memref_slice %arg2[%dma_wait3A_388, %dma_wait3A_389] : memref<10000x128xf32, #tpu.memory_space<hbm>> -> memref<128x128xf32, #tpu.memory_space<hbm>>
      tpu.wait_dma2 semaphore(%arg8 : memref<!tpu.dma_semaphore, #tpu.memory_space<semaphore_mem>>) src(%dma_wait3A_390 : memref<128x128xf32, #tpu.memory_space<hbm>>) dst(%dma_wait3A_387 : memref<128x128xf32, #tpu.memory_space<vmem>>)
      %dma_start3A_391 = arith.constant 0 : i32
      %dma_start3A_392 = arith.constant 0 : i32
      %dma_start3A_393 = arith.constant 1 : i32
      %dma_start3A_394 = arith.constant 2 : i32
      %dma_start3A_395 = arith.constant 0 : i32
      %dma_start3A_396 = arith.constant 0 : i32
      %dma_start3A_397 = tpu.memref_slice %arg7[%dma_start3A_391, %dma_start3A_395, %dma_start3A_396] : memref<2x128x128xf32, #tpu.memory_space<vmem>> -> memref<1x128x128xf32, #tpu.memory_space<vmem>>
      %dma_start3A_398 = tpu.memref_squeeze %dma_start3A_397 : memref<1x128x128xf32, #tpu.memory_space<vmem>> -> memref<128x128xf32, #tpu.memory_space<vmem>>
      %dma_start3A_399 = arith.constant 0 : i32
      %dma_start3A_400 = tpu.memref_slice %arg6[%dma_start3A_392, %dma_start3A_393, %dma_start3A_394, %dma_start3A_399] : memref<2x2x8x128xi32, #tpu.memory_space<vmem>> -> memref<1x1x1x128xi32, #tpu.memory_space<vmem>>
      %dma_start3A_401 = tpu.memref_squeeze %dma_start3A_400 : memref<1x1x1x128xi32, #tpu.memory_space<vmem>> -> memref<128xi32, #tpu.memory_space<vmem>>
      %dma_start3A_402 = arith.constant 0 : i32
      %dma_start3A_403 = arith.constant 0 : i32
      %dma_start3A_404 = tpu.memref_slice %arg5[%dma_start3A_402, %dma_start3A_403] : memref<10240x128xf32, #tpu.memory_space<vmem_shared>> -> memref<10240x128xf32, #tpu.memory_space<vmem_shared>>
      tpu.enqueue_indirect_dma source(%dma_start3A_398 : memref<128x128xf32, #tpu.memory_space<vmem>>) target(%dma_start3A_404 : memref<10240x128xf32, #tpu.memory_space<vmem_shared>>) offsets(%dma_start3A_401 : memref<128xi32, #tpu.memory_space<vmem>>) semaphore(%arg10 : memref<!tpu.dma_semaphore, #tpu.memory_space<semaphore_mem>>) {add = true}
      %dma_wait3A_405 = arith.constant 0 : i32
      %dma_wait3A_406 = arith.constant 0 : i32
      %dma_wait3A_407 = arith.constant 0 : i32
      %dma_wait3A_408 = tpu.memref_slice %arg7[%dma_wait3A_405, %dma_wait3A_406, %dma_wait3A_407] : memref<2x128x128xf32, #tpu.memory_space<vmem>> -> memref<1x128x128xf32, #tpu.memory_space<vmem>>
      %dma_wait3A_409 = tpu.memref_squeeze %dma_wait3A_408 : memref<1x128x128xf32, #tpu.memory_space<vmem>> -> memref<128x128xf32, #tpu.memory_space<vmem>>
      %dma_wait3A_410 = arith.constant 0 : i32
      %dma_wait3A_411 = arith.constant 0 : i32
      %dma_wait3A_412 = tpu.memref_slice %arg5[%dma_wait3A_410, %dma_wait3A_411] : memref<10240x128xf32, #tpu.memory_space<vmem_shared>> -> memref<128x128xf32, #tpu.memory_space<vmem_shared>>
      %dma_wait3A_413 = arith.constant 0 : i32
      %dma_wait3A_414 = arith.constant 0 : i32
      %dma_wait3A_415 = tpu.memref_slice %arg5[%dma_wait3A_413, %dma_wait3A_414] : memref<10240x128xf32, #tpu.memory_space<vmem_shared>> -> memref<128x128xf32, #tpu.memory_space<vmem_shared>>
      %dma_wait3A_416 = arith.constant 0 : i32
      %dma_wait3A_417 = arith.constant 0 : i32
      %dma_wait3A_418 = tpu.memref_slice %arg7[%dma_wait3A_405, %dma_wait3A_416, %dma_wait3A_417] : memref<2x128x128xf32, #tpu.memory_space<vmem>> -> memref<1x128x128xf32, #tpu.memory_space<vmem>>
      %dma_wait3A_419 = tpu.memref_squeeze %dma_wait3A_418 : memref<1x128x128xf32, #tpu.memory_space<vmem>> -> memref<128x128xf32, #tpu.memory_space<vmem>>
      tpu.wait_dma2 semaphore(%arg10 : memref<!tpu.dma_semaphore, #tpu.memory_space<semaphore_mem>>) src(%dma_wait3A_419 : memref<128x128xf32, #tpu.memory_space<vmem>>) dst(%dma_wait3A_415 : memref<128x128xf32, #tpu.memory_space<vmem_shared>>)
      %dma_start3A_420 = arith.constant 0 : i32
      %dma_start3A_421 = arith.constant 0 : i32
      %dma_start3A_422 = arith.constant 4 : i32
      %dma_start3A_423 = arith.constant 0 : i32
      %dma_start3A_424 = arith.constant 0 : i32
      %dma_start3A_425 = arith.constant 0 : i32
      %dma_start3A_426 = tpu.memref_slice %arg7[%dma_start3A_423, %dma_start3A_424, %dma_start3A_425] : memref<2x128x128xf32, #tpu.memory_space<vmem>> -> memref<1x128x128xf32, #tpu.memory_space<vmem>>
      %dma_start3A_427 = tpu.memref_squeeze %dma_start3A_426 : memref<1x128x128xf32, #tpu.memory_space<vmem>> -> memref<128x128xf32, #tpu.memory_space<vmem>>
      %dma_start3A_428 = arith.constant 0 : i32
      %dma_start3A_429 = tpu.memref_slice %arg6[%dma_start3A_420, %dma_start3A_421, %dma_start3A_422, %dma_start3A_428] : memref<2x2x8x128xi32, #tpu.memory_space<vmem>> -> memref<1x1x1x128xi32, #tpu.memory_space<vmem>>
      %dma_start3A_430 = tpu.memref_squeeze %dma_start3A_429 : memref<1x1x1x128xi32, #tpu.memory_space<vmem>> -> memref<128xi32, #tpu.memory_space<vmem>>
      %dma_start3A_431 = arith.constant 0 : i32
      %dma_start3A_432 = arith.constant 0 : i32
      %dma_start3A_433 = tpu.memref_slice %arg2[%dma_start3A_431, %dma_start3A_432] : memref<10000x128xf32, #tpu.memory_space<hbm>> -> memref<10000x128xf32, #tpu.memory_space<hbm>>
      tpu.enqueue_indirect_dma source(%dma_start3A_433 : memref<10000x128xf32, #tpu.memory_space<hbm>>) target(%dma_start3A_427 : memref<128x128xf32, #tpu.memory_space<vmem>>) offsets(%dma_start3A_430 : memref<128xi32, #tpu.memory_space<vmem>>) semaphore(%arg8 : memref<!tpu.dma_semaphore, #tpu.memory_space<semaphore_mem>>)
      %dma_wait3A_434 = arith.constant 1 : i32
      %dma_wait3A_435 = arith.constant 0 : i32
      %dma_wait3A_436 = arith.constant 0 : i32
      %dma_wait3A_437 = tpu.memref_slice %arg7[%dma_wait3A_434, %dma_wait3A_435, %dma_wait3A_436] : memref<2x128x128xf32, #tpu.memory_space<vmem>> -> memref<1x128x128xf32, #tpu.memory_space<vmem>>
      %dma_wait3A_438 = tpu.memref_squeeze %dma_wait3A_437 : memref<1x128x128xf32, #tpu.memory_space<vmem>> -> memref<128x128xf32, #tpu.memory_space<vmem>>
      %dma_wait3A_439 = arith.constant 0 : i32
      %dma_wait3A_440 = arith.constant 0 : i32
      %dma_wait3A_441 = tpu.memref_slice %arg2[%dma_wait3A_439, %dma_wait3A_440] : memref<10000x128xf32, #tpu.memory_space<hbm>> -> memref<128x128xf32, #tpu.memory_space<hbm>>
      %dma_wait3A_442 = arith.constant 0 : i32
      %dma_wait3A_443 = arith.constant 0 : i32
      %dma_wait3A_444 = tpu.memref_slice %arg7[%dma_wait3A_434, %dma_wait3A_442, %dma_wait3A_443] : memref<2x128x128xf32, #tpu.memory_space<vmem>> -> memref<1x128x128xf32, #tpu.memory_space<vmem>>
      %dma_wait3A_445 = tpu.memref_squeeze %dma_wait3A_444 : memref<1x128x128xf32, #tpu.memory_space<vmem>> -> memref<128x128xf32, #tpu.memory_space<vmem>>
      %dma_wait3A_446 = arith.constant 0 : i32
      %dma_wait3A_447 = arith.constant 0 : i32
      %dma_wait3A_448 = tpu.memref_slice %arg2[%dma_wait3A_446, %dma_wait3A_447] : memref<10000x128xf32, #tpu.memory_space<hbm>> -> memref<128x128xf32, #tpu.memory_space<hbm>>
      tpu.wait_dma2 semaphore(%arg9 : memref<!tpu.dma_semaphore, #tpu.memory_space<semaphore_mem>>) src(%dma_wait3A_448 : memref<128x128xf32, #tpu.memory_space<hbm>>) dst(%dma_wait3A_445 : memref<128x128xf32, #tpu.memory_space<vmem>>)
      %dma_start3A_449 = arith.constant 1 : i32
      %dma_start3A_450 = arith.constant 0 : i32
      %dma_start3A_451 = arith.constant 1 : i32
      %dma_start3A_452 = arith.constant 3 : i32
      %dma_start3A_453 = arith.constant 0 : i32
      %dma_start3A_454 = arith.constant 0 : i32
      %dma_start3A_455 = tpu.memref_slice %arg7[%dma_start3A_449, %dma_start3A_453, %dma_start3A_454] : memref<2x128x128xf32, #tpu.memory_space<vmem>> -> memref<1x128x128xf32, #tpu.memory_space<vmem>>
      %dma_start3A_456 = tpu.memref_squeeze %dma_start3A_455 : memref<1x128x128xf32, #tpu.memory_space<vmem>> -> memref<128x128xf32, #tpu.memory_space<vmem>>
      %dma_start3A_457 = arith.constant 0 : i32
      %dma_start3A_458 = tpu.memref_slice %arg6[%dma_start3A_450, %dma_start3A_451, %dma_start3A_452, %dma_start3A_457] : memref<2x2x8x128xi32, #tpu.memory_space<vmem>> -> memref<1x1x1x128xi32, #tpu.memory_space<vmem>>
      %dma_start3A_459 = tpu.memref_squeeze %dma_start3A_458 : memref<1x1x1x128xi32, #tpu.memory_space<vmem>> -> memref<128xi32, #tpu.memory_space<vmem>>
      %dma_start3A_460 = arith.constant 0 : i32
      %dma_start3A_461 = arith.constant 0 : i32
      %dma_start3A_462 = tpu.memref_slice %arg5[%dma_start3A_460, %dma_start3A_461] : memref<10240x128xf32, #tpu.memory_space<vmem_shared>> -> memref<10240x128xf32, #tpu.memory_space<vmem_shared>>
      tpu.enqueue_indirect_dma source(%dma_start3A_456 : memref<128x128xf32, #tpu.memory_space<vmem>>) target(%dma_start3A_462 : memref<10240x128xf32, #tpu.memory_space<vmem_shared>>) offsets(%dma_start3A_459 : memref<128xi32, #tpu.memory_space<vmem>>) semaphore(%arg11 : memref<!tpu.dma_semaphore, #tpu.memory_space<semaphore_mem>>) {add = true}
      %dma_wait3A_463 = arith.constant 1 : i32
      %dma_wait3A_464 = arith.constant 0 : i32
      %dma_wait3A_465 = arith.constant 0 : i32
      %dma_wait3A_466 = tpu.memref_slice %arg7[%dma_wait3A_463, %dma_wait3A_464, %dma_wait3A_465] : memref<2x128x128xf32, #tpu.memory_space<vmem>> -> memref<1x128x128xf32, #tpu.memory_space<vmem>>
      %dma_wait3A_467 = tpu.memref_squeeze %dma_wait3A_466 : memref<1x128x128xf32, #tpu.memory_space<vmem>> -> memref<128x128xf32, #tpu.memory_space<vmem>>
      %dma_wait3A_468 = arith.constant 0 : i32
      %dma_wait3A_469 = arith.constant 0 : i32
      %dma_wait3A_470 = tpu.memref_slice %arg5[%dma_wait3A_468, %dma_wait3A_469] : memref<10240x128xf32, #tpu.memory_space<vmem_shared>> -> memref<128x128xf32, #tpu.memory_space<vmem_shared>>
      %dma_wait3A_471 = arith.constant 0 : i32
      %dma_wait3A_472 = arith.constant 0 : i32
      %dma_wait3A_473 = tpu.memref_slice %arg5[%dma_wait3A_471, %dma_wait3A_472] : memref<10240x128xf32, #tpu.memory_space<vmem_shared>> -> memref<128x128xf32, #tpu.memory_space<vmem_shared>>
      %dma_wait3A_474 = arith.constant 0 : i32
      %dma_wait3A_475 = arith.constant 0 : i32
      %dma_wait3A_476 = tpu.memref_slice %arg7[%dma_wait3A_463, %dma_wait3A_474, %dma_wait3A_475] : memref<2x128x128xf32, #tpu.memory_space<vmem>> -> memref<1x128x128xf32, #tpu.memory_space<vmem>>
      %dma_wait3A_477 = tpu.memref_squeeze %dma_wait3A_476 : memref<1x128x128xf32, #tpu.memory_space<vmem>> -> memref<128x128xf32, #tpu.memory_space<vmem>>
      tpu.wait_dma2 semaphore(%arg11 : memref<!tpu.dma_semaphore, #tpu.memory_space<semaphore_mem>>) src(%dma_wait3A_477 : memref<128x128xf32, #tpu.memory_space<vmem>>) dst(%dma_wait3A_473 : memref<128x128xf32, #tpu.memory_space<vmem_shared>>)
      %dma_start3A_478 = arith.constant 0 : i32
      %dma_start3A_479 = arith.constant 0 : i32
      %dma_start3A_480 = arith.constant 5 : i32
      %dma_start3A_481 = arith.constant 1 : i32
      %dma_start3A_482 = arith.constant 0 : i32
      %dma_start3A_483 = arith.constant 0 : i32
      %dma_start3A_484 = tpu.memref_slice %arg7[%dma_start3A_481, %dma_start3A_482, %dma_start3A_483] : memref<2x128x128xf32, #tpu.memory_space<vmem>> -> memref<1x128x128xf32, #tpu.memory_space<vmem>>
      %dma_start3A_485 = tpu.memref_squeeze %dma_start3A_484 : memref<1x128x128xf32, #tpu.memory_space<vmem>> -> memref<128x128xf32, #tpu.memory_space<vmem>>
      %dma_start3A_486 = arith.constant 0 : i32
      %dma_start3A_487 = tpu.memref_slice %arg6[%dma_start3A_478, %dma_start3A_479, %dma_start3A_480, %dma_start3A_486] : memref<2x2x8x128xi32, #tpu.memory_space<vmem>> -> memref<1x1x1x128xi32, #tpu.memory_space<vmem>>
      %dma_start3A_488 = tpu.memref_squeeze %dma_start3A_487 : memref<1x1x1x128xi32, #tpu.memory_space<vmem>> -> memref<128xi32, #tpu.memory_space<vmem>>
      %dma_start3A_489 = arith.constant 0 : i32
      %dma_start3A_490 = arith.constant 0 : i32
      %dma_start3A_491 = tpu.memref_slice %arg2[%dma_start3A_489, %dma_start3A_490] : memref<10000x128xf32, #tpu.memory_space<hbm>> -> memref<10000x128xf32, #tpu.memory_space<hbm>>
      tpu.enqueue_indirect_dma source(%dma_start3A_491 : memref<10000x128xf32, #tpu.memory_space<hbm>>) target(%dma_start3A_485 : memref<128x128xf32, #tpu.memory_space<vmem>>) offsets(%dma_start3A_488 : memref<128xi32, #tpu.memory_space<vmem>>) semaphore(%arg9 : memref<!tpu.dma_semaphore, #tpu.memory_space<semaphore_mem>>)
      %dma_wait3A_492 = arith.constant 0 : i32
      %dma_wait3A_493 = arith.constant 0 : i32
      %dma_wait3A_494 = arith.constant 0 : i32
      %dma_wait3A_495 = tpu.memref_slice %arg7[%dma_wait3A_492, %dma_wait3A_493, %dma_wait3A_494] : memref<2x128x128xf32, #tpu.memory_space<vmem>> -> memref<1x128x128xf32, #tpu.memory_space<vmem>>
      %dma_wait3A_496 = tpu.memref_squeeze %dma_wait3A_495 : memref<1x128x128xf32, #tpu.memory_space<vmem>> -> memref<128x128xf32, #tpu.memory_space<vmem>>
      %dma_wait3A_497 = arith.constant 0 : i32
      %dma_wait3A_498 = arith.constant 0 : i32
      %dma_wait3A_499 = tpu.memref_slice %arg2[%dma_wait3A_497, %dma_wait3A_498] : memref<10000x128xf32, #tpu.memory_space<hbm>> -> memref<128x128xf32, #tpu.memory_space<hbm>>
      %dma_wait3A_500 = arith.constant 0 : i32
      %dma_wait3A_501 = arith.constant 0 : i32
      %dma_wait3A_502 = tpu.memref_slice %arg7[%dma_wait3A_492, %dma_wait3A_500, %dma_wait3A_501] : memref<2x128x128xf32, #tpu.memory_space<vmem>> -> memref<1x128x128xf32, #tpu.memory_space<vmem>>
      %dma_wait3A_503 = tpu.memref_squeeze %dma_wait3A_502 : memref<1x128x128xf32, #tpu.memory_space<vmem>> -> memref<128x128xf32, #tpu.memory_space<vmem>>
      %dma_wait3A_504 = arith.constant 0 : i32
      %dma_wait3A_505 = arith.constant 0 : i32
      %dma_wait3A_506 = tpu.memref_slice %arg2[%dma_wait3A_504, %dma_wait3A_505] : memref<10000x128xf32, #tpu.memory_space<hbm>> -> memref<128x128xf32, #tpu.memory_space<hbm>>
      tpu.wait_dma2 semaphore(%arg8 : memref<!tpu.dma_semaphore, #tpu.memory_space<semaphore_mem>>) src(%dma_wait3A_506 : memref<128x128xf32, #tpu.memory_space<hbm>>) dst(%dma_wait3A_503 : memref<128x128xf32, #tpu.memory_space<vmem>>)
      %dma_start3A_507 = arith.constant 0 : i32
      %dma_start3A_508 = arith.constant 0 : i32
      %dma_start3A_509 = arith.constant 1 : i32
      %dma_start3A_510 = arith.constant 4 : i32
      %dma_start3A_511 = arith.constant 0 : i32
      %dma_start3A_512 = arith.constant 0 : i32
      %dma_start3A_513 = tpu.memref_slice %arg7[%dma_start3A_507, %dma_start3A_511, %dma_start3A_512] : memref<2x128x128xf32, #tpu.memory_space<vmem>> -> memref<1x128x128xf32, #tpu.memory_space<vmem>>
      %dma_start3A_514 = tpu.memref_squeeze %dma_start3A_513 : memref<1x128x128xf32, #tpu.memory_space<vmem>> -> memref<128x128xf32, #tpu.memory_space<vmem>>
      %dma_start3A_515 = arith.constant 0 : i32
      %dma_start3A_516 = tpu.memref_slice %arg6[%dma_start3A_508, %dma_start3A_509, %dma_start3A_510, %dma_start3A_515] : memref<2x2x8x128xi32, #tpu.memory_space<vmem>> -> memref<1x1x1x128xi32, #tpu.memory_space<vmem>>
      %dma_start3A_517 = tpu.memref_squeeze %dma_start3A_516 : memref<1x1x1x128xi32, #tpu.memory_space<vmem>> -> memref<128xi32, #tpu.memory_space<vmem>>
      %dma_start3A_518 = arith.constant 0 : i32
      %dma_start3A_519 = arith.constant 0 : i32
      %dma_start3A_520 = tpu.memref_slice %arg5[%dma_start3A_518, %dma_start3A_519] : memref<10240x128xf32, #tpu.memory_space<vmem_shared>> -> memref<10240x128xf32, #tpu.memory_space<vmem_shared>>
      tpu.enqueue_indirect_dma source(%dma_start3A_514 : memref<128x128xf32, #tpu.memory_space<vmem>>) target(%dma_start3A_520 : memref<10240x128xf32, #tpu.memory_space<vmem_shared>>) offsets(%dma_start3A_517 : memref<128xi32, #tpu.memory_space<vmem>>) semaphore(%arg10 : memref<!tpu.dma_semaphore, #tpu.memory_space<semaphore_mem>>) {add = true}
      %dma_wait3A_521 = arith.constant 0 : i32
      %dma_wait3A_522 = arith.constant 0 : i32
      %dma_wait3A_523 = arith.constant 0 : i32
      %dma_wait3A_524 = tpu.memref_slice %arg7[%dma_wait3A_521, %dma_wait3A_522, %dma_wait3A_523] : memref<2x128x128xf32, #tpu.memory_space<vmem>> -> memref<1x128x128xf32, #tpu.memory_space<vmem>>
      %dma_wait3A_525 = tpu.memref_squeeze %dma_wait3A_524 : memref<1x128x128xf32, #tpu.memory_space<vmem>> -> memref<128x128xf32, #tpu.memory_space<vmem>>
      %dma_wait3A_526 = arith.constant 0 : i32
      %dma_wait3A_527 = arith.constant 0 : i32
      %dma_wait3A_528 = tpu.memref_slice %arg5[%dma_wait3A_526, %dma_wait3A_527] : memref<10240x128xf32, #tpu.memory_space<vmem_shared>> -> memref<128x128xf32, #tpu.memory_space<vmem_shared>>
      %dma_wait3A_529 = arith.constant 0 : i32
      %dma_wait3A_530 = arith.constant 0 : i32
      %dma_wait3A_531 = tpu.memref_slice %arg5[%dma_wait3A_529, %dma_wait3A_530] : memref<10240x128xf32, #tpu.memory_space<vmem_shared>> -> memref<128x128xf32, #tpu.memory_space<vmem_shared>>
      %dma_wait3A_532 = arith.constant 0 : i32
      %dma_wait3A_533 = arith.constant 0 : i32
      %dma_wait3A_534 = tpu.memref_slice %arg7[%dma_wait3A_521, %dma_wait3A_532, %dma_wait3A_533] : memref<2x128x128xf32, #tpu.memory_space<vmem>> -> memref<1x128x128xf32, #tpu.memory_space<vmem>>
      %dma_wait3A_535 = tpu.memref_squeeze %dma_wait3A_534 : memref<1x128x128xf32, #tpu.memory_space<vmem>> -> memref<128x128xf32, #tpu.memory_space<vmem>>
      tpu.wait_dma2 semaphore(%arg10 : memref<!tpu.dma_semaphore, #tpu.memory_space<semaphore_mem>>) src(%dma_wait3A_535 : memref<128x128xf32, #tpu.memory_space<vmem>>) dst(%dma_wait3A_531 : memref<128x128xf32, #tpu.memory_space<vmem_shared>>)
      %dma_start3A_536 = arith.constant 0 : i32
      %dma_start3A_537 = arith.constant 0 : i32
      %dma_start3A_538 = arith.constant 6 : i32
      %dma_start3A_539 = arith.constant 0 : i32
      %dma_start3A_540 = arith.constant 0 : i32
      %dma_start3A_541 = arith.constant 0 : i32
      %dma_start3A_542 = tpu.memref_slice %arg7[%dma_start3A_539, %dma_start3A_540, %dma_start3A_541] : memref<2x128x128xf32, #tpu.memory_space<vmem>> -> memref<1x128x128xf32, #tpu.memory_space<vmem>>
      %dma_start3A_543 = tpu.memref_squeeze %dma_start3A_542 : memref<1x128x128xf32, #tpu.memory_space<vmem>> -> memref<128x128xf32, #tpu.memory_space<vmem>>
      %dma_start3A_544 = arith.constant 0 : i32
      %dma_start3A_545 = tpu.memref_slice %arg6[%dma_start3A_536, %dma_start3A_537, %dma_start3A_538, %dma_start3A_544] : memref<2x2x8x128xi32, #tpu.memory_space<vmem>> -> memref<1x1x1x128xi32, #tpu.memory_space<vmem>>
      %dma_start3A_546 = tpu.memref_squeeze %dma_start3A_545 : memref<1x1x1x128xi32, #tpu.memory_space<vmem>> -> memref<128xi32, #tpu.memory_space<vmem>>
      %dma_start3A_547 = arith.constant 0 : i32
      %dma_start3A_548 = arith.constant 0 : i32
      %dma_start3A_549 = tpu.memref_slice %arg2[%dma_start3A_547, %dma_start3A_548] : memref<10000x128xf32, #tpu.memory_space<hbm>> -> memref<10000x128xf32, #tpu.memory_space<hbm>>
      tpu.enqueue_indirect_dma source(%dma_start3A_549 : memref<10000x128xf32, #tpu.memory_space<hbm>>) target(%dma_start3A_543 : memref<128x128xf32, #tpu.memory_space<vmem>>) offsets(%dma_start3A_546 : memref<128xi32, #tpu.memory_space<vmem>>) semaphore(%arg8 : memref<!tpu.dma_semaphore, #tpu.memory_space<semaphore_mem>>)
      %dma_wait3A_550 = arith.constant 1 : i32
      %dma_wait3A_551 = arith.constant 0 : i32
      %dma_wait3A_552 = arith.constant 0 : i32
      %dma_wait3A_553 = tpu.memref_slice %arg7[%dma_wait3A_550, %dma_wait3A_551, %dma_wait3A_552] : memref<2x128x128xf32, #tpu.memory_space<vmem>> -> memref<1x128x128xf32, #tpu.memory_space<vmem>>
      %dma_wait3A_554 = tpu.memref_squeeze %dma_wait3A_553 : memref<1x128x128xf32, #tpu.memory_space<vmem>> -> memref<128x128xf32, #tpu.memory_space<vmem>>
      %dma_wait3A_555 = arith.constant 0 : i32
      %dma_wait3A_556 = arith.constant 0 : i32
      %dma_wait3A_557 = tpu.memref_slice %arg2[%dma_wait3A_555, %dma_wait3A_556] : memref<10000x128xf32, #tpu.memory_space<hbm>> -> memref<128x128xf32, #tpu.memory_space<hbm>>
      %dma_wait3A_558 = arith.constant 0 : i32
      %dma_wait3A_559 = arith.constant 0 : i32
      %dma_wait3A_560 = tpu.memref_slice %arg7[%dma_wait3A_550, %dma_wait3A_558, %dma_wait3A_559] : memref<2x128x128xf32, #tpu.memory_space<vmem>> -> memref<1x128x128xf32, #tpu.memory_space<vmem>>
      %dma_wait3A_561 = tpu.memref_squeeze %dma_wait3A_560 : memref<1x128x128xf32, #tpu.memory_space<vmem>> -> memref<128x128xf32, #tpu.memory_space<vmem>>
      %dma_wait3A_562 = arith.constant 0 : i32
      %dma_wait3A_563 = arith.constant 0 : i32
      %dma_wait3A_564 = tpu.memref_slice %arg2[%dma_wait3A_562, %dma_wait3A_563] : memref<10000x128xf32, #tpu.memory_space<hbm>> -> memref<128x128xf32, #tpu.memory_space<hbm>>
      tpu.wait_dma2 semaphore(%arg9 : memref<!tpu.dma_semaphore, #tpu.memory_space<semaphore_mem>>) src(%dma_wait3A_564 : memref<128x128xf32, #tpu.memory_space<hbm>>) dst(%dma_wait3A_561 : memref<128x128xf32, #tpu.memory_space<vmem>>)
      %dma_start3A_565 = arith.constant 1 : i32
      %dma_start3A_566 = arith.constant 0 : i32
      %dma_start3A_567 = arith.constant 1 : i32
      %dma_start3A_568 = arith.constant 5 : i32
      %dma_start3A_569 = arith.constant 0 : i32
      %dma_start3A_570 = arith.constant 0 : i32
      %dma_start3A_571 = tpu.memref_slice %arg7[%dma_start3A_565, %dma_start3A_569, %dma_start3A_570] : memref<2x128x128xf32, #tpu.memory_space<vmem>> -> memref<1x128x128xf32, #tpu.memory_space<vmem>>
      %dma_start3A_572 = tpu.memref_squeeze %dma_start3A_571 : memref<1x128x128xf32, #tpu.memory_space<vmem>> -> memref<128x128xf32, #tpu.memory_space<vmem>>
      %dma_start3A_573 = arith.constant 0 : i32
      %dma_start3A_574 = tpu.memref_slice %arg6[%dma_start3A_566, %dma_start3A_567, %dma_start3A_568, %dma_start3A_573] : memref<2x2x8x128xi32, #tpu.memory_space<vmem>> -> memref<1x1x1x128xi32, #tpu.memory_space<vmem>>
      %dma_start3A_575 = tpu.memref_squeeze %dma_start3A_574 : memref<1x1x1x128xi32, #tpu.memory_space<vmem>> -> memref<128xi32, #tpu.memory_space<vmem>>
      %dma_start3A_576 = arith.constant 0 : i32
      %dma_start3A_577 = arith.constant 0 : i32
      %dma_start3A_578 = tpu.memref_slice %arg5[%dma_start3A_576, %dma_start3A_577] : memref<10240x128xf32, #tpu.memory_space<vmem_shared>> -> memref<10240x128xf32, #tpu.memory_space<vmem_shared>>
      tpu.enqueue_indirect_dma source(%dma_start3A_572 : memref<128x128xf32, #tpu.memory_space<vmem>>) target(%dma_start3A_578 : memref<10240x128xf32, #tpu.memory_space<vmem_shared>>) offsets(%dma_start3A_575 : memref<128xi32, #tpu.memory_space<vmem>>) semaphore(%arg11 : memref<!tpu.dma_semaphore, #tpu.memory_space<semaphore_mem>>) {add = true}
      %dma_wait3A_579 = arith.constant 1 : i32
      %dma_wait3A_580 = arith.constant 0 : i32
      %dma_wait3A_581 = arith.constant 0 : i32
      %dma_wait3A_582 = tpu.memref_slice %arg7[%dma_wait3A_579, %dma_wait3A_580, %dma_wait3A_581] : memref<2x128x128xf32, #tpu.memory_space<vmem>> -> memref<1x128x128xf32, #tpu.memory_space<vmem>>
      %dma_wait3A_583 = tpu.memref_squeeze %dma_wait3A_582 : memref<1x128x128xf32, #tpu.memory_space<vmem>> -> memref<128x128xf32, #tpu.memory_space<vmem>>
      %dma_wait3A_584 = arith.constant 0 : i32
      %dma_wait3A_585 = arith.constant 0 : i32
      %dma_wait3A_586 = tpu.memref_slice %arg5[%dma_wait3A_584, %dma_wait3A_585] : memref<10240x128xf32, #tpu.memory_space<vmem_shared>> -> memref<128x128xf32, #tpu.memory_space<vmem_shared>>
      %dma_wait3A_587 = arith.constant 0 : i32
      %dma_wait3A_588 = arith.constant 0 : i32
      %dma_wait3A_589 = tpu.memref_slice %arg5[%dma_wait3A_587, %dma_wait3A_588] : memref<10240x128xf32, #tpu.memory_space<vmem_shared>> -> memref<128x128xf32, #tpu.memory_space<vmem_shared>>
      %dma_wait3A_590 = arith.constant 0 : i32
      %dma_wait3A_591 = arith.constant 0 : i32
      %dma_wait3A_592 = tpu.memref_slice %arg7[%dma_wait3A_579, %dma_wait3A_590, %dma_wait3A_591] : memref<2x128x128xf32, #tpu.memory_space<vmem>> -> memref<1x128x128xf32, #tpu.memory_space<vmem>>
      %dma_wait3A_593 = tpu.memref_squeeze %dma_wait3A_592 : memref<1x128x128xf32, #tpu.memory_space<vmem>> -> memref<128x128xf32, #tpu.memory_space<vmem>>
      tpu.wait_dma2 semaphore(%arg11 : memref<!tpu.dma_semaphore, #tpu.memory_space<semaphore_mem>>) src(%dma_wait3A_593 : memref<128x128xf32, #tpu.memory_space<vmem>>) dst(%dma_wait3A_589 : memref<128x128xf32, #tpu.memory_space<vmem_shared>>)
      %dma_start3A_594 = arith.constant 0 : i32
      %dma_start3A_595 = arith.constant 0 : i32
      %dma_start3A_596 = arith.constant 7 : i32
      %dma_start3A_597 = arith.constant 1 : i32
      %dma_start3A_598 = arith.constant 0 : i32
      %dma_start3A_599 = arith.constant 0 : i32
      %dma_start3A_600 = tpu.memref_slice %arg7[%dma_start3A_597, %dma_start3A_598, %dma_start3A_599] : memref<2x128x128xf32, #tpu.memory_space<vmem>> -> memref<1x128x128xf32, #tpu.memory_space<vmem>>
      %dma_start3A_601 = tpu.memref_squeeze %dma_start3A_600 : memref<1x128x128xf32, #tpu.memory_space<vmem>> -> memref<128x128xf32, #tpu.memory_space<vmem>>
      %dma_start3A_602 = arith.constant 0 : i32
      %dma_start3A_603 = tpu.memref_slice %arg6[%dma_start3A_594, %dma_start3A_595, %dma_start3A_596, %dma_start3A_602] : memref<2x2x8x128xi32, #tpu.memory_space<vmem>> -> memref<1x1x1x128xi32, #tpu.memory_space<vmem>>
      %dma_start3A_604 = tpu.memref_squeeze %dma_start3A_603 : memref<1x1x1x128xi32, #tpu.memory_space<vmem>> -> memref<128xi32, #tpu.memory_space<vmem>>
      %dma_start3A_605 = arith.constant 0 : i32
      %dma_start3A_606 = arith.constant 0 : i32
      %dma_start3A_607 = tpu.memref_slice %arg2[%dma_start3A_605, %dma_start3A_606] : memref<10000x128xf32, #tpu.memory_space<hbm>> -> memref<10000x128xf32, #tpu.memory_space<hbm>>
      tpu.enqueue_indirect_dma source(%dma_start3A_607 : memref<10000x128xf32, #tpu.memory_space<hbm>>) target(%dma_start3A_601 : memref<128x128xf32, #tpu.memory_space<vmem>>) offsets(%dma_start3A_604 : memref<128xi32, #tpu.memory_space<vmem>>) semaphore(%arg9 : memref<!tpu.dma_semaphore, #tpu.memory_space<semaphore_mem>>)
      %dma_wait3A_608 = arith.constant 0 : i32
      %dma_wait3A_609 = arith.constant 0 : i32
      %dma_wait3A_610 = arith.constant 0 : i32
      %dma_wait3A_611 = tpu.memref_slice %arg7[%dma_wait3A_608, %dma_wait3A_609, %dma_wait3A_610] : memref<2x128x128xf32, #tpu.memory_space<vmem>> -> memref<1x128x128xf32, #tpu.memory_space<vmem>>
      %dma_wait3A_612 = tpu.memref_squeeze %dma_wait3A_611 : memref<1x128x128xf32, #tpu.memory_space<vmem>> -> memref<128x128xf32, #tpu.memory_space<vmem>>
      %dma_wait3A_613 = arith.constant 0 : i32
      %dma_wait3A_614 = arith.constant 0 : i32
      %dma_wait3A_615 = tpu.memref_slice %arg2[%dma_wait3A_613, %dma_wait3A_614] : memref<10000x128xf32, #tpu.memory_space<hbm>> -> memref<128x128xf32, #tpu.memory_space<hbm>>
      %dma_wait3A_616 = arith.constant 0 : i32
      %dma_wait3A_617 = arith.constant 0 : i32
      %dma_wait3A_618 = tpu.memref_slice %arg7[%dma_wait3A_608, %dma_wait3A_616, %dma_wait3A_617] : memref<2x128x128xf32, #tpu.memory_space<vmem>> -> memref<1x128x128xf32, #tpu.memory_space<vmem>>
      %dma_wait3A_619 = tpu.memref_squeeze %dma_wait3A_618 : memref<1x128x128xf32, #tpu.memory_space<vmem>> -> memref<128x128xf32, #tpu.memory_space<vmem>>
      %dma_wait3A_620 = arith.constant 0 : i32
      %dma_wait3A_621 = arith.constant 0 : i32
      %dma_wait3A_622 = tpu.memref_slice %arg2[%dma_wait3A_620, %dma_wait3A_621] : memref<10000x128xf32, #tpu.memory_space<hbm>> -> memref<128x128xf32, #tpu.memory_space<hbm>>
      tpu.wait_dma2 semaphore(%arg8 : memref<!tpu.dma_semaphore, #tpu.memory_space<semaphore_mem>>) src(%dma_wait3A_622 : memref<128x128xf32, #tpu.memory_space<hbm>>) dst(%dma_wait3A_619 : memref<128x128xf32, #tpu.memory_space<vmem>>)
      %dma_start3A_623 = arith.constant 0 : i32
      %dma_start3A_624 = arith.constant 0 : i32
      %dma_start3A_625 = arith.constant 1 : i32
      %dma_start3A_626 = arith.constant 6 : i32
      %dma_start3A_627 = arith.constant 0 : i32
      %dma_start3A_628 = arith.constant 0 : i32
      %dma_start3A_629 = tpu.memref_slice %arg7[%dma_start3A_623, %dma_start3A_627, %dma_start3A_628] : memref<2x128x128xf32, #tpu.memory_space<vmem>> -> memref<1x128x128xf32, #tpu.memory_space<vmem>>
      %dma_start3A_630 = tpu.memref_squeeze %dma_start3A_629 : memref<1x128x128xf32, #tpu.memory_space<vmem>> -> memref<128x128xf32, #tpu.memory_space<vmem>>
      %dma_start3A_631 = arith.constant 0 : i32
      %dma_start3A_632 = tpu.memref_slice %arg6[%dma_start3A_624, %dma_start3A_625, %dma_start3A_626, %dma_start3A_631] : memref<2x2x8x128xi32, #tpu.memory_space<vmem>> -> memref<1x1x1x128xi32, #tpu.memory_space<vmem>>
      %dma_start3A_633 = tpu.memref_squeeze %dma_start3A_632 : memref<1x1x1x128xi32, #tpu.memory_space<vmem>> -> memref<128xi32, #tpu.memory_space<vmem>>
      %dma_start3A_634 = arith.constant 0 : i32
      %dma_start3A_635 = arith.constant 0 : i32
      %dma_start3A_636 = tpu.memref_slice %arg5[%dma_start3A_634, %dma_start3A_635] : memref<10240x128xf32, #tpu.memory_space<vmem_shared>> -> memref<10240x128xf32, #tpu.memory_space<vmem_shared>>
      tpu.enqueue_indirect_dma source(%dma_start3A_630 : memref<128x128xf32, #tpu.memory_space<vmem>>) target(%dma_start3A_636 : memref<10240x128xf32, #tpu.memory_space<vmem_shared>>) offsets(%dma_start3A_633 : memref<128xi32, #tpu.memory_space<vmem>>) semaphore(%arg10 : memref<!tpu.dma_semaphore, #tpu.memory_space<semaphore_mem>>) {add = true}
      %dma_wait3A_637 = arith.constant 0 : i32
      %dma_wait3A_638 = arith.constant 1 : i32
      %dma_wait3A_639 = arith.constant 0 : i32
      %dma_wait3A_640 = arith.constant 0 : i32
      %dma_wait3A_641 = arith.constant 0 : i32
      %dma_wait3A_642 = tpu.memref_slice %arg6[%dma_wait3A_638, %dma_wait3A_639, %dma_wait3A_640, %dma_wait3A_641] : memref<2x2x8x128xi32, #tpu.memory_space<vmem>> -> memref<1x2x8x128xi32, #tpu.memory_space<vmem>>
      %dma_wait3A_643 = tpu.memref_squeeze %dma_wait3A_642 : memref<1x2x8x128xi32, #tpu.memory_space<vmem>> -> memref<2x8x128xi32, #tpu.memory_space<vmem>>
      %dma_wait3A_644 = arith.constant 0 : i32
      %dma_wait3A_645 = arith.constant 0 : i32
      %dma_wait3A_646 = arith.constant 0 : i32
      %dma_wait3A_647 = tpu.memref_slice %arg3[%dma_wait3A_637, %dma_wait3A_644, %dma_wait3A_645, %dma_wait3A_646] : memref<320x2x8x128xi32, #tpu.memory_space<hbm>> -> memref<1x2x8x128xi32, #tpu.memory_space<hbm>>
      %dma_wait3A_648 = tpu.memref_squeeze %dma_wait3A_647 : memref<1x2x8x128xi32, #tpu.memory_space<hbm>> -> memref<2x8x128xi32, #tpu.memory_space<hbm>>
      %dma_wait3A_649 = arith.constant 0 : i32
      %dma_wait3A_650 = arith.constant 0 : i32
      %dma_wait3A_651 = arith.constant 0 : i32
      %dma_wait3A_652 = tpu.memref_slice %arg6[%dma_wait3A_638, %dma_wait3A_649, %dma_wait3A_650, %dma_wait3A_651] : memref<2x2x8x128xi32, #tpu.memory_space<vmem>> -> memref<1x2x8x128xi32, #tpu.memory_space<vmem>>
      %dma_wait3A_653 = tpu.memref_squeeze %dma_wait3A_652 : memref<1x2x8x128xi32, #tpu.memory_space<vmem>> -> memref<2x8x128xi32, #tpu.memory_space<vmem>>
      %dma_wait3A_654 = arith.constant 0 : i32
      %dma_wait3A_655 = arith.constant 0 : i32
      %dma_wait3A_656 = arith.constant 0 : i32
      %dma_wait3A_657 = tpu.memref_slice %arg3[%dma_wait3A_637, %dma_wait3A_654, %dma_wait3A_655, %dma_wait3A_656] : memref<320x2x8x128xi32, #tpu.memory_space<hbm>> -> memref<1x2x8x128xi32, #tpu.memory_space<hbm>>
      %dma_wait3A_658 = tpu.memref_squeeze %dma_wait3A_657 : memref<1x2x8x128xi32, #tpu.memory_space<hbm>> -> memref<2x8x128xi32, #tpu.memory_space<hbm>>
      tpu.wait_dma2 semaphore(%arg13 : memref<!tpu.dma_semaphore, #tpu.memory_space<semaphore_mem>>) src(%dma_wait3A_658 : memref<2x8x128xi32, #tpu.memory_space<hbm>>) dst(%dma_wait3A_653 : memref<2x8x128xi32, #tpu.memory_space<vmem>>)
      %dma_wait3A_659 = arith.constant 0 : i32
      %dma_wait3A_660 = arith.constant 0 : i32
      %dma_wait3A_661 = arith.constant 0 : i32
      %dma_wait3A_662 = tpu.memref_slice %arg7[%dma_wait3A_659, %dma_wait3A_660, %dma_wait3A_661] : memref<2x128x128xf32, #tpu.memory_space<vmem>> -> memref<1x128x128xf32, #tpu.memory_space<vmem>>
      %dma_wait3A_663 = tpu.memref_squeeze %dma_wait3A_662 : memref<1x128x128xf32, #tpu.memory_space<vmem>> -> memref<128x128xf32, #tpu.memory_space<vmem>>
      %dma_wait3A_664 = arith.constant 0 : i32
      %dma_wait3A_665 = arith.constant 0 : i32
      %dma_wait3A_666 = tpu.memref_slice %arg5[%dma_wait3A_664, %dma_wait3A_665] : memref<10240x128xf32, #tpu.memory_space<vmem_shared>> -> memref<128x128xf32, #tpu.memory_space<vmem_shared>>
      %dma_wait3A_667 = arith.constant 0 : i32
      %dma_wait3A_668 = arith.constant 0 : i32
      %dma_wait3A_669 = tpu.memref_slice %arg5[%dma_wait3A_667, %dma_wait3A_668] : memref<10240x128xf32, #tpu.memory_space<vmem_shared>> -> memref<128x128xf32, #tpu.memory_space<vmem_shared>>
      %dma_wait3A_670 = arith.constant 0 : i32
      %dma_wait3A_671 = arith.constant 0 : i32
      %dma_wait3A_672 = tpu.memref_slice %arg7[%dma_wait3A_659, %dma_wait3A_670, %dma_wait3A_671] : memref<2x128x128xf32, #tpu.memory_space<vmem>> -> memref<1x128x128xf32, #tpu.memory_space<vmem>>
      %dma_wait3A_673 = tpu.memref_squeeze %dma_wait3A_672 : memref<1x128x128xf32, #tpu.memory_space<vmem>> -> memref<128x128xf32, #tpu.memory_space<vmem>>
      tpu.wait_dma2 semaphore(%arg10 : memref<!tpu.dma_semaphore, #tpu.memory_space<semaphore_mem>>) src(%dma_wait3A_673 : memref<128x128xf32, #tpu.memory_space<vmem>>) dst(%dma_wait3A_669 : memref<128x128xf32, #tpu.memory_space<vmem_shared>>)
      %dma_start3A_674 = arith.constant 1 : i32
      %dma_start3A_675 = arith.constant 0 : i32
      %dma_start3A_676 = arith.constant 0 : i32
      %dma_start3A_677 = arith.constant 0 : i32
      %dma_start3A_678 = arith.constant 0 : i32
      %dma_start3A_679 = arith.constant 0 : i32
      %dma_start3A_680 = tpu.memref_slice %arg7[%dma_start3A_677, %dma_start3A_678, %dma_start3A_679] : memref<2x128x128xf32, #tpu.memory_space<vmem>> -> memref<1x128x128xf32, #tpu.memory_space<vmem>>
      %dma_start3A_681 = tpu.memref_squeeze %dma_start3A_680 : memref<1x128x128xf32, #tpu.memory_space<vmem>> -> memref<128x128xf32, #tpu.memory_space<vmem>>
      %dma_start3A_682 = arith.constant 0 : i32
      %dma_start3A_683 = tpu.memref_slice %arg6[%dma_start3A_674, %dma_start3A_675, %dma_start3A_676, %dma_start3A_682] : memref<2x2x8x128xi32, #tpu.memory_space<vmem>> -> memref<1x1x1x128xi32, #tpu.memory_space<vmem>>
      %dma_start3A_684 = tpu.memref_squeeze %dma_start3A_683 : memref<1x1x1x128xi32, #tpu.memory_space<vmem>> -> memref<128xi32, #tpu.memory_space<vmem>>
      %dma_start3A_685 = arith.constant 0 : i32
      %dma_start3A_686 = arith.constant 0 : i32
      %dma_start3A_687 = tpu.memref_slice %arg2[%dma_start3A_685, %dma_start3A_686] : memref<10000x128xf32, #tpu.memory_space<hbm>> -> memref<10000x128xf32, #tpu.memory_space<hbm>>
      tpu.enqueue_indirect_dma source(%dma_start3A_687 : memref<10000x128xf32, #tpu.memory_space<hbm>>) target(%dma_start3A_681 : memref<128x128xf32, #tpu.memory_space<vmem>>) offsets(%dma_start3A_684 : memref<128xi32, #tpu.memory_space<vmem>>) semaphore(%arg8 : memref<!tpu.dma_semaphore, #tpu.memory_space<semaphore_mem>>)
      %dma_wait3A_688 = arith.constant 1 : i32
      %dma_wait3A_689 = arith.constant 0 : i32
      %dma_wait3A_690 = arith.constant 0 : i32
      %dma_wait3A_691 = tpu.memref_slice %arg7[%dma_wait3A_688, %dma_wait3A_689, %dma_wait3A_690] : memref<2x128x128xf32, #tpu.memory_space<vmem>> -> memref<1x128x128xf32, #tpu.memory_space<vmem>>
      %dma_wait3A_692 = tpu.memref_squeeze %dma_wait3A_691 : memref<1x128x128xf32, #tpu.memory_space<vmem>> -> memref<128x128xf32, #tpu.memory_space<vmem>>
      %dma_wait3A_693 = arith.constant 0 : i32
      %dma_wait3A_694 = arith.constant 0 : i32
      %dma_wait3A_695 = tpu.memref_slice %arg2[%dma_wait3A_693, %dma_wait3A_694] : memref<10000x128xf32, #tpu.memory_space<hbm>> -> memref<128x128xf32, #tpu.memory_space<hbm>>
      %dma_wait3A_696 = arith.constant 0 : i32
      %dma_wait3A_697 = arith.constant 0 : i32
      %dma_wait3A_698 = tpu.memref_slice %arg7[%dma_wait3A_688, %dma_wait3A_696, %dma_wait3A_697] : memref<2x128x128xf32, #tpu.memory_space<vmem>> -> memref<1x128x128xf32, #tpu.memory_space<vmem>>
      %dma_wait3A_699 = tpu.memref_squeeze %dma_wait3A_698 : memref<1x128x128xf32, #tpu.memory_space<vmem>> -> memref<128x128xf32, #tpu.memory_space<vmem>>
      %dma_wait3A_700 = arith.constant 0 : i32
      %dma_wait3A_701 = arith.constant 0 : i32
      %dma_wait3A_702 = tpu.memref_slice %arg2[%dma_wait3A_700, %dma_wait3A_701] : memref<10000x128xf32, #tpu.memory_space<hbm>> -> memref<128x128xf32, #tpu.memory_space<hbm>>
      tpu.wait_dma2 semaphore(%arg9 : memref<!tpu.dma_semaphore, #tpu.memory_space<semaphore_mem>>) src(%dma_wait3A_702 : memref<128x128xf32, #tpu.memory_space<hbm>>) dst(%dma_wait3A_699 : memref<128x128xf32, #tpu.memory_space<vmem>>)
      %dma_start3A_703 = arith.constant 1 : i32
      %dma_start3A_704 = arith.constant 0 : i32
      %dma_start3A_705 = arith.constant 1 : i32
      %dma_start3A_706 = arith.constant 7 : i32
      %dma_start3A_707 = arith.constant 0 : i32
      %dma_start3A_708 = arith.constant 0 : i32
      %dma_start3A_709 = tpu.memref_slice %arg7[%dma_start3A_703, %dma_start3A_707, %dma_start3A_708] : memref<2x128x128xf32, #tpu.memory_space<vmem>> -> memref<1x128x128xf32, #tpu.memory_space<vmem>>
      %dma_start3A_710 = tpu.memref_squeeze %dma_start3A_709 : memref<1x128x128xf32, #tpu.memory_space<vmem>> -> memref<128x128xf32, #tpu.memory_space<vmem>>
      %dma_start3A_711 = arith.constant 0 : i32
      %dma_start3A_712 = tpu.memref_slice %arg6[%dma_start3A_704, %dma_start3A_705, %dma_start3A_706, %dma_start3A_711] : memref<2x2x8x128xi32, #tpu.memory_space<vmem>> -> memref<1x1x1x128xi32, #tpu.memory_space<vmem>>
      %dma_start3A_713 = tpu.memref_squeeze %dma_start3A_712 : memref<1x1x1x128xi32, #tpu.memory_space<vmem>> -> memref<128xi32, #tpu.memory_space<vmem>>
      %dma_start3A_714 = arith.constant 0 : i32
      %dma_start3A_715 = arith.constant 0 : i32
      %dma_start3A_716 = tpu.memref_slice %arg5[%dma_start3A_714, %dma_start3A_715] : memref<10240x128xf32, #tpu.memory_space<vmem_shared>> -> memref<10240x128xf32, #tpu.memory_space<vmem_shared>>
      tpu.enqueue_indirect_dma source(%dma_start3A_710 : memref<128x128xf32, #tpu.memory_space<vmem>>) target(%dma_start3A_716 : memref<10240x128xf32, #tpu.memory_space<vmem_shared>>) offsets(%dma_start3A_713 : memref<128xi32, #tpu.memory_space<vmem>>) semaphore(%arg11 : memref<!tpu.dma_semaphore, #tpu.memory_space<semaphore_mem>>) {add = true}
      %dma_wait3A_717 = arith.constant 1 : i32
      %dma_wait3A_718 = arith.constant 0 : i32
      %dma_wait3A_719 = arith.constant 0 : i32
      %dma_wait3A_720 = tpu.memref_slice %arg7[%dma_wait3A_717, %dma_wait3A_718, %dma_wait3A_719] : memref<2x128x128xf32, #tpu.memory_space<vmem>> -> memref<1x128x128xf32, #tpu.memory_space<vmem>>
      %dma_wait3A_721 = tpu.memref_squeeze %dma_wait3A_720 : memref<1x128x128xf32, #tpu.memory_space<vmem>> -> memref<128x128xf32, #tpu.memory_space<vmem>>
      %dma_wait3A_722 = arith.constant 0 : i32
      %dma_wait3A_723 = arith.constant 0 : i32
      %dma_wait3A_724 = tpu.memref_slice %arg5[%dma_wait3A_722, %dma_wait3A_723] : memref<10240x128xf32, #tpu.memory_space<vmem_shared>> -> memref<128x128xf32, #tpu.memory_space<vmem_shared>>
      %dma_wait3A_725 = arith.constant 0 : i32
      %dma_wait3A_726 = arith.constant 0 : i32
      %dma_wait3A_727 = tpu.memref_slice %arg5[%dma_wait3A_725, %dma_wait3A_726] : memref<10240x128xf32, #tpu.memory_space<vmem_shared>> -> memref<128x128xf32, #tpu.memory_space<vmem_shared>>
      %dma_wait3A_728 = arith.constant 0 : i32
      %dma_wait3A_729 = arith.constant 0 : i32
      %dma_wait3A_730 = tpu.memref_slice %arg7[%dma_wait3A_717, %dma_wait3A_728, %dma_wait3A_729] : memref<2x128x128xf32, #tpu.memory_space<vmem>> -> memref<1x128x128xf32, #tpu.memory_space<vmem>>
      %dma_wait3A_731 = tpu.memref_squeeze %dma_wait3A_730 : memref<1x128x128xf32, #tpu.memory_space<vmem>> -> memref<128x128xf32, #tpu.memory_space<vmem>>
      tpu.wait_dma2 semaphore(%arg11 : memref<!tpu.dma_semaphore, #tpu.memory_space<semaphore_mem>>) src(%dma_wait3A_731 : memref<128x128xf32, #tpu.memory_space<vmem>>) dst(%dma_wait3A_727 : memref<128x128xf32, #tpu.memory_space<vmem_shared>>)
      %dma_start3A_732 = arith.constant 1 : i32
      %dma_start3A_733 = arith.constant 0 : i32
      %dma_start3A_734 = arith.constant 1 : i32
      %dma_start3A_735 = arith.constant 1 : i32
      %dma_start3A_736 = arith.constant 0 : i32
      %dma_start3A_737 = arith.constant 0 : i32
      %dma_start3A_738 = tpu.memref_slice %arg7[%dma_start3A_735, %dma_start3A_736, %dma_start3A_737] : memref<2x128x128xf32, #tpu.memory_space<vmem>> -> memref<1x128x128xf32, #tpu.memory_space<vmem>>
      %dma_start3A_739 = tpu.memref_squeeze %dma_start3A_738 : memref<1x128x128xf32, #tpu.memory_space<vmem>> -> memref<128x128xf32, #tpu.memory_space<vmem>>
      %dma_start3A_740 = arith.constant 0 : i32
      %dma_start3A_741 = tpu.memref_slice %arg6[%dma_start3A_732, %dma_start3A_733, %dma_start3A_734, %dma_start3A_740] : memref<2x2x8x128xi32, #tpu.memory_space<vmem>> -> memref<1x1x1x128xi32, #tpu.memory_space<vmem>>
      %dma_start3A_742 = tpu.memref_squeeze %dma_start3A_741 : memref<1x1x1x128xi32, #tpu.memory_space<vmem>> -> memref<128xi32, #tpu.memory_space<vmem>>
      %dma_start3A_743 = arith.constant 0 : i32
      %dma_start3A_744 = arith.constant 0 : i32
      %dma_start3A_745 = tpu.memref_slice %arg2[%dma_start3A_743, %dma_start3A_744] : memref<10000x128xf32, #tpu.memory_space<hbm>> -> memref<10000x128xf32, #tpu.memory_space<hbm>>
      tpu.enqueue_indirect_dma source(%dma_start3A_745 : memref<10000x128xf32, #tpu.memory_space<hbm>>) target(%dma_start3A_739 : memref<128x128xf32, #tpu.memory_space<vmem>>) offsets(%dma_start3A_742 : memref<128xi32, #tpu.memory_space<vmem>>) semaphore(%arg9 : memref<!tpu.dma_semaphore, #tpu.memory_space<semaphore_mem>>)
      %dma_wait3A_746 = arith.constant 0 : i32
      %dma_wait3A_747 = arith.constant 0 : i32
      %dma_wait3A_748 = arith.constant 0 : i32
      %dma_wait3A_749 = tpu.memref_slice %arg7[%dma_wait3A_746, %dma_wait3A_747, %dma_wait3A_748] : memref<2x128x128xf32, #tpu.memory_space<vmem>> -> memref<1x128x128xf32, #tpu.memory_space<vmem>>
      %dma_wait3A_750 = tpu.memref_squeeze %dma_wait3A_749 : memref<1x128x128xf32, #tpu.memory_space<vmem>> -> memref<128x128xf32, #tpu.memory_space<vmem>>
      %dma_wait3A_751 = arith.constant 0 : i32
      %dma_wait3A_752 = arith.constant 0 : i32
      %dma_wait3A_753 = tpu.memref_slice %arg2[%dma_wait3A_751, %dma_wait3A_752] : memref<10000x128xf32, #tpu.memory_space<hbm>> -> memref<128x128xf32, #tpu.memory_space<hbm>>
      %dma_wait3A_754 = arith.constant 0 : i32
      %dma_wait3A_755 = arith.constant 0 : i32
      %dma_wait3A_756 = tpu.memref_slice %arg7[%dma_wait3A_746, %dma_wait3A_754, %dma_wait3A_755] : memref<2x128x128xf32, #tpu.memory_space<vmem>> -> memref<1x128x128xf32, #tpu.memory_space<vmem>>
      %dma_wait3A_757 = tpu.memref_squeeze %dma_wait3A_756 : memref<1x128x128xf32, #tpu.memory_space<vmem>> -> memref<128x128xf32, #tpu.memory_space<vmem>>
      %dma_wait3A_758 = arith.constant 0 : i32
      %dma_wait3A_759 = arith.constant 0 : i32
      %dma_wait3A_760 = tpu.memref_slice %arg2[%dma_wait3A_758, %dma_wait3A_759] : memref<10000x128xf32, #tpu.memory_space<hbm>> -> memref<128x128xf32, #tpu.memory_space<hbm>>
      tpu.wait_dma2 semaphore(%arg8 : memref<!tpu.dma_semaphore, #tpu.memory_space<semaphore_mem>>) src(%dma_wait3A_760 : memref<128x128xf32, #tpu.memory_space<hbm>>) dst(%dma_wait3A_757 : memref<128x128xf32, #tpu.memory_space<vmem>>)
      %dma_start3A_761 = arith.constant 0 : i32
      %dma_start3A_762 = arith.constant 1 : i32
      %dma_start3A_763 = arith.constant 1 : i32
      %dma_start3A_764 = arith.constant 0 : i32
      %dma_start3A_765 = arith.constant 0 : i32
      %dma_start3A_766 = arith.constant 0 : i32
      %dma_start3A_767 = tpu.memref_slice %arg7[%dma_start3A_761, %dma_start3A_765, %dma_start3A_766] : memref<2x128x128xf32, #tpu.memory_space<vmem>> -> memref<1x128x128xf32, #tpu.memory_space<vmem>>
      %dma_start3A_768 = tpu.memref_squeeze %dma_start3A_767 : memref<1x128x128xf32, #tpu.memory_space<vmem>> -> memref<128x128xf32, #tpu.memory_space<vmem>>
      %dma_start3A_769 = arith.constant 0 : i32
      %dma_start3A_770 = tpu.memref_slice %arg6[%dma_start3A_762, %dma_start3A_763, %dma_start3A_764, %dma_start3A_769] : memref<2x2x8x128xi32, #tpu.memory_space<vmem>> -> memref<1x1x1x128xi32, #tpu.memory_space<vmem>>
      %dma_start3A_771 = tpu.memref_squeeze %dma_start3A_770 : memref<1x1x1x128xi32, #tpu.memory_space<vmem>> -> memref<128xi32, #tpu.memory_space<vmem>>
      %dma_start3A_772 = arith.constant 0 : i32
      %dma_start3A_773 = arith.constant 0 : i32
      %dma_start3A_774 = tpu.memref_slice %arg5[%dma_start3A_772, %dma_start3A_773] : memref<10240x128xf32, #tpu.memory_space<vmem_shared>> -> memref<10240x128xf32, #tpu.memory_space<vmem_shared>>
      tpu.enqueue_indirect_dma source(%dma_start3A_768 : memref<128x128xf32, #tpu.memory_space<vmem>>) target(%dma_start3A_774 : memref<10240x128xf32, #tpu.memory_space<vmem_shared>>) offsets(%dma_start3A_771 : memref<128xi32, #tpu.memory_space<vmem>>) semaphore(%arg10 : memref<!tpu.dma_semaphore, #tpu.memory_space<semaphore_mem>>) {add = true}
      %convert_element_type3A = arith.extui %lt3A_259 : i1 to i32
      %cond3A = arith.constant 0 : i32
      %cond3A_775 = arith.cmpi ne, %convert_element_type3A, %cond3A : i32
      scf.if %cond3A_775 {
        %mul3A_1196 = arith.constant 2 : i32
        %mul3A_1197 = arith.muli %mul3A_1196, %scan3A_257 : i32
        %add3A_1198 = arith.constant 2 : i32
        %add3A_1199 = arith.addi %mul3A_1197, %add3A_1198 : i32
        %add3A_1200 = arith.addi %mul3A_2, %add3A_1199 : i32
        %dma_start3A_1201 = arith.constant 0 : i32
        %dma_start3A_1202 = arith.constant 0 : i32
        %dma_start3A_1203 = arith.constant 0 : i32
        %dma_start3A_1204 = arith.constant 0 : i32
        %dma_start3A_1205 = tpu.memref_slice %arg6[%dma_start3A_1201, %dma_start3A_1202, %dma_start3A_1203, %dma_start3A_1204] : memref<2x2x8x128xi32, #tpu.memory_space<vmem>> -> memref<1x2x8x128xi32, #tpu.memory_space<vmem>>
        %dma_start3A_1206 = tpu.memref_squeeze %dma_start3A_1205 : memref<1x2x8x128xi32, #tpu.memory_space<vmem>> -> memref<2x8x128xi32, #tpu.memory_space<vmem>>
        %dma_start3A_1207 = arith.constant 0 : i32
        %dma_start3A_1208 = arith.constant 0 : i32
        %dma_start3A_1209 = arith.constant 0 : i32
        %dma_start3A_1210 = tpu.memref_slice %arg3[%add3A_1200, %dma_start3A_1207, %dma_start3A_1208, %dma_start3A_1209] : memref<320x2x8x128xi32, #tpu.memory_space<hbm>> -> memref<1x2x8x128xi32, #tpu.memory_space<hbm>>
        %dma_start3A_1211 = tpu.memref_squeeze %dma_start3A_1210 : memref<1x2x8x128xi32, #tpu.memory_space<hbm>> -> memref<2x8x128xi32, #tpu.memory_space<hbm>>
        %dma_start3A_1212 = arith.constant 0 : i32
        %dma_start3A_1213 = arith.constant 0 : i32
        %dma_start3A_1214 = arith.constant 0 : i32
        %dma_start3A_1215 = tpu.memref_slice %arg6[%dma_start3A_1201, %dma_start3A_1212, %dma_start3A_1213, %dma_start3A_1214] : memref<2x2x8x128xi32, #tpu.memory_space<vmem>> -> memref<1x2x8x128xi32, #tpu.memory_space<vmem>>
        %dma_start3A_1216 = tpu.memref_squeeze %dma_start3A_1215 : memref<1x2x8x128xi32, #tpu.memory_space<vmem>> -> memref<2x8x128xi32, #tpu.memory_space<vmem>>
        %dma_start3A_1217 = arith.constant 0 : i32
        %dma_start3A_1218 = arith.constant 0 : i32
        %dma_start3A_1219 = arith.constant 0 : i32
        %dma_start3A_1220 = tpu.memref_slice %arg3[%add3A_1200, %dma_start3A_1217, %dma_start3A_1218, %dma_start3A_1219] : memref<320x2x8x128xi32, #tpu.memory_space<hbm>> -> memref<1x2x8x128xi32, #tpu.memory_space<hbm>>
        %dma_start3A_1221 = tpu.memref_squeeze %dma_start3A_1220 : memref<1x2x8x128xi32, #tpu.memory_space<hbm>> -> memref<2x8x128xi32, #tpu.memory_space<hbm>>
        tpu.enqueue_dma source(%dma_start3A_1221 : memref<2x8x128xi32, #tpu.memory_space<hbm>>) target(%dma_start3A_1216 : memref<2x8x128xi32, #tpu.memory_space<vmem>>) target_semaphore(%arg12 : memref<!tpu.dma_semaphore, #tpu.memory_space<semaphore_mem>>)
      } else {
      }
      %dma_wait3A_776 = arith.constant 0 : i32
      %dma_wait3A_777 = arith.constant 0 : i32
      %dma_wait3A_778 = arith.constant 0 : i32
      %dma_wait3A_779 = tpu.memref_slice %arg7[%dma_wait3A_776, %dma_wait3A_777, %dma_wait3A_778] : memref<2x128x128xf32, #tpu.memory_space<vmem>> -> memref<1x128x128xf32, #tpu.memory_space<vmem>>
      %dma_wait3A_780 = tpu.memref_squeeze %dma_wait3A_779 : memref<1x128x128xf32, #tpu.memory_space<vmem>> -> memref<128x128xf32, #tpu.memory_space<vmem>>
      %dma_wait3A_781 = arith.constant 0 : i32
      %dma_wait3A_782 = arith.constant 0 : i32
      %dma_wait3A_783 = tpu.memref_slice %arg5[%dma_wait3A_781, %dma_wait3A_782] : memref<10240x128xf32, #tpu.memory_space<vmem_shared>> -> memref<128x128xf32, #tpu.memory_space<vmem_shared>>
      %dma_wait3A_784 = arith.constant 0 : i32
      %dma_wait3A_785 = arith.constant 0 : i32
      %dma_wait3A_786 = tpu.memref_slice %arg5[%dma_wait3A_784, %dma_wait3A_785] : memref<10240x128xf32, #tpu.memory_space<vmem_shared>> -> memref<128x128xf32, #tpu.memory_space<vmem_shared>>
      %dma_wait3A_787 = arith.constant 0 : i32
      %dma_wait3A_788 = arith.constant 0 : i32
      %dma_wait3A_789 = tpu.memref_slice %arg7[%dma_wait3A_776, %dma_wait3A_787, %dma_wait3A_788] : memref<2x128x128xf32, #tpu.memory_space<vmem>> -> memref<1x128x128xf32, #tpu.memory_space<vmem>>
      %dma_wait3A_790 = tpu.memref_squeeze %dma_wait3A_789 : memref<1x128x128xf32, #tpu.memory_space<vmem>> -> memref<128x128xf32, #tpu.memory_space<vmem>>
      tpu.wait_dma2 semaphore(%arg10 : memref<!tpu.dma_semaphore, #tpu.memory_space<semaphore_mem>>) src(%dma_wait3A_790 : memref<128x128xf32, #tpu.memory_space<vmem>>) dst(%dma_wait3A_786 : memref<128x128xf32, #tpu.memory_space<vmem_shared>>)
      %dma_start3A_791 = arith.constant 1 : i32
      %dma_start3A_792 = arith.constant 0 : i32
      %dma_start3A_793 = arith.constant 2 : i32
      %dma_start3A_794 = arith.constant 0 : i32
      %dma_start3A_795 = arith.constant 0 : i32
      %dma_start3A_796 = arith.constant 0 : i32
      %dma_start3A_797 = tpu.memref_slice %arg7[%dma_start3A_794, %dma_start3A_795, %dma_start3A_796] : memref<2x128x128xf32, #tpu.memory_space<vmem>> -> memref<1x128x128xf32, #tpu.memory_space<vmem>>
      %dma_start3A_798 = tpu.memref_squeeze %dma_start3A_797 : memref<1x128x128xf32, #tpu.memory_space<vmem>> -> memref<128x128xf32, #tpu.memory_space<vmem>>
      %dma_start3A_799 = arith.constant 0 : i32
      %dma_start3A_800 = tpu.memref_slice %arg6[%dma_start3A_791, %dma_start3A_792, %dma_start3A_793, %dma_start3A_799] : memref<2x2x8x128xi32, #tpu.memory_space<vmem>> -> memref<1x1x1x128xi32, #tpu.memory_space<vmem>>
      %dma_start3A_801 = tpu.memref_squeeze %dma_start3A_800 : memref<1x1x1x128xi32, #tpu.memory_space<vmem>> -> memref<128xi32, #tpu.memory_space<vmem>>
      %dma_start3A_802 = arith.constant 0 : i32
      %dma_start3A_803 = arith.constant 0 : i32
      %dma_start3A_804 = tpu.memref_slice %arg2[%dma_start3A_802, %dma_start3A_803] : memref<10000x128xf32, #tpu.memory_space<hbm>> -> memref<10000x128xf32, #tpu.memory_space<hbm>>
      tpu.enqueue_indirect_dma source(%dma_start3A_804 : memref<10000x128xf32, #tpu.memory_space<hbm>>) target(%dma_start3A_798 : memref<128x128xf32, #tpu.memory_space<vmem>>) offsets(%dma_start3A_801 : memref<128xi32, #tpu.memory_space<vmem>>) semaphore(%arg8 : memref<!tpu.dma_semaphore, #tpu.memory_space<semaphore_mem>>)
      %dma_wait3A_805 = arith.constant 1 : i32
      %dma_wait3A_806 = arith.constant 0 : i32
      %dma_wait3A_807 = arith.constant 0 : i32
      %dma_wait3A_808 = tpu.memref_slice %arg7[%dma_wait3A_805, %dma_wait3A_806, %dma_wait3A_807] : memref<2x128x128xf32, #tpu.memory_space<vmem>> -> memref<1x128x128xf32, #tpu.memory_space<vmem>>
      %dma_wait3A_809 = tpu.memref_squeeze %dma_wait3A_808 : memref<1x128x128xf32, #tpu.memory_space<vmem>> -> memref<128x128xf32, #tpu.memory_space<vmem>>
      %dma_wait3A_810 = arith.constant 0 : i32
      %dma_wait3A_811 = arith.constant 0 : i32
      %dma_wait3A_812 = tpu.memref_slice %arg2[%dma_wait3A_810, %dma_wait3A_811] : memref<10000x128xf32, #tpu.memory_space<hbm>> -> memref<128x128xf32, #tpu.memory_space<hbm>>
      %dma_wait3A_813 = arith.constant 0 : i32
      %dma_wait3A_814 = arith.constant 0 : i32
      %dma_wait3A_815 = tpu.memref_slice %arg7[%dma_wait3A_805, %dma_wait3A_813, %dma_wait3A_814] : memref<2x128x128xf32, #tpu.memory_space<vmem>> -> memref<1x128x128xf32, #tpu.memory_space<vmem>>
      %dma_wait3A_816 = tpu.memref_squeeze %dma_wait3A_815 : memref<1x128x128xf32, #tpu.memory_space<vmem>> -> memref<128x128xf32, #tpu.memory_space<vmem>>
      %dma_wait3A_817 = arith.constant 0 : i32
      %dma_wait3A_818 = arith.constant 0 : i32
      %dma_wait3A_819 = tpu.memref_slice %arg2[%dma_wait3A_817, %dma_wait3A_818] : memref<10000x128xf32, #tpu.memory_space<hbm>> -> memref<128x128xf32, #tpu.memory_space<hbm>>
      tpu.wait_dma2 semaphore(%arg9 : memref<!tpu.dma_semaphore, #tpu.memory_space<semaphore_mem>>) src(%dma_wait3A_819 : memref<128x128xf32, #tpu.memory_space<hbm>>) dst(%dma_wait3A_816 : memref<128x128xf32, #tpu.memory_space<vmem>>)
      %dma_start3A_820 = arith.constant 1 : i32
      %dma_start3A_821 = arith.constant 1 : i32
      %dma_start3A_822 = arith.constant 1 : i32
      %dma_start3A_823 = arith.constant 1 : i32
      %dma_start3A_824 = arith.constant 0 : i32
      %dma_start3A_825 = arith.constant 0 : i32
      %dma_start3A_826 = tpu.memref_slice %arg7[%dma_start3A_820, %dma_start3A_824, %dma_start3A_825] : memref<2x128x128xf32, #tpu.memory_space<vmem>> -> memref<1x128x128xf32, #tpu.memory_space<vmem>>
      %dma_start3A_827 = tpu.memref_squeeze %dma_start3A_826 : memref<1x128x128xf32, #tpu.memory_space<vmem>> -> memref<128x128xf32, #tpu.memory_space<vmem>>
      %dma_start3A_828 = arith.constant 0 : i32
      %dma_start3A_829 = tpu.memref_slice %arg6[%dma_start3A_821, %dma_start3A_822, %dma_start3A_823, %dma_start3A_828] : memref<2x2x8x128xi32, #tpu.memory_space<vmem>> -> memref<1x1x1x128xi32, #tpu.memory_space<vmem>>
      %dma_start3A_830 = tpu.memref_squeeze %dma_start3A_829 : memref<1x1x1x128xi32, #tpu.memory_space<vmem>> -> memref<128xi32, #tpu.memory_space<vmem>>
      %dma_start3A_831 = arith.constant 0 : i32
      %dma_start3A_832 = arith.constant 0 : i32
      %dma_start3A_833 = tpu.memref_slice %arg5[%dma_start3A_831, %dma_start3A_832] : memref<10240x128xf32, #tpu.memory_space<vmem_shared>> -> memref<10240x128xf32, #tpu.memory_space<vmem_shared>>
      tpu.enqueue_indirect_dma source(%dma_start3A_827 : memref<128x128xf32, #tpu.memory_space<vmem>>) target(%dma_start3A_833 : memref<10240x128xf32, #tpu.memory_space<vmem_shared>>) offsets(%dma_start3A_830 : memref<128xi32, #tpu.memory_space<vmem>>) semaphore(%arg11 : memref<!tpu.dma_semaphore, #tpu.memory_space<semaphore_mem>>) {add = true}
      %dma_wait3A_834 = arith.constant 1 : i32
      %dma_wait3A_835 = arith.constant 0 : i32
      %dma_wait3A_836 = arith.constant 0 : i32
      %dma_wait3A_837 = tpu.memref_slice %arg7[%dma_wait3A_834, %dma_wait3A_835, %dma_wait3A_836] : memref<2x128x128xf32, #tpu.memory_space<vmem>> -> memref<1x128x128xf32, #tpu.memory_space<vmem>>
      %dma_wait3A_838 = tpu.memref_squeeze %dma_wait3A_837 : memref<1x128x128xf32, #tpu.memory_space<vmem>> -> memref<128x128xf32, #tpu.memory_space<vmem>>
      %dma_wait3A_839 = arith.constant 0 : i32
      %dma_wait3A_840 = arith.constant 0 : i32
      %dma_wait3A_841 = tpu.memref_slice %arg5[%dma_wait3A_839, %dma_wait3A_840] : memref<10240x128xf32, #tpu.memory_space<vmem_shared>> -> memref<128x128xf32, #tpu.memory_space<vmem_shared>>
      %dma_wait3A_842 = arith.constant 0 : i32
      %dma_wait3A_843 = arith.constant 0 : i32
      %dma_wait3A_844 = tpu.memref_slice %arg5[%dma_wait3A_842, %dma_wait3A_843] : memref<10240x128xf32, #tpu.memory_space<vmem_shared>> -> memref<128x128xf32, #tpu.memory_space<vmem_shared>>
      %dma_wait3A_845 = arith.constant 0 : i32
      %dma_wait3A_846 = arith.constant 0 : i32
      %dma_wait3A_847 = tpu.memref_slice %arg7[%dma_wait3A_834, %dma_wait3A_845, %dma_wait3A_846] : memref<2x128x128xf32, #tpu.memory_space<vmem>> -> memref<1x128x128xf32, #tpu.memory_space<vmem>>
      %dma_wait3A_848 = tpu.memref_squeeze %dma_wait3A_847 : memref<1x128x128xf32, #tpu.memory_space<vmem>> -> memref<128x128xf32, #tpu.memory_space<vmem>>
      tpu.wait_dma2 semaphore(%arg11 : memref<!tpu.dma_semaphore, #tpu.memory_space<semaphore_mem>>) src(%dma_wait3A_848 : memref<128x128xf32, #tpu.memory_space<vmem>>) dst(%dma_wait3A_844 : memref<128x128xf32, #tpu.memory_space<vmem_shared>>)
      %dma_start3A_849 = arith.constant 1 : i32
      %dma_start3A_850 = arith.constant 0 : i32
      %dma_start3A_851 = arith.constant 3 : i32
      %dma_start3A_852 = arith.constant 1 : i32
      %dma_start3A_853 = arith.constant 0 : i32
      %dma_start3A_854 = arith.constant 0 : i32
      %dma_start3A_855 = tpu.memref_slice %arg7[%dma_start3A_852, %dma_start3A_853, %dma_start3A_854] : memref<2x128x128xf32, #tpu.memory_space<vmem>> -> memref<1x128x128xf32, #tpu.memory_space<vmem>>
      %dma_start3A_856 = tpu.memref_squeeze %dma_start3A_855 : memref<1x128x128xf32, #tpu.memory_space<vmem>> -> memref<128x128xf32, #tpu.memory_space<vmem>>
      %dma_start3A_857 = arith.constant 0 : i32
      %dma_start3A_858 = tpu.memref_slice %arg6[%dma_start3A_849, %dma_start3A_850, %dma_start3A_851, %dma_start3A_857] : memref<2x2x8x128xi32, #tpu.memory_space<vmem>> -> memref<1x1x1x128xi32, #tpu.memory_space<vmem>>
      %dma_start3A_859 = tpu.memref_squeeze %dma_start3A_858 : memref<1x1x1x128xi32, #tpu.memory_space<vmem>> -> memref<128xi32, #tpu.memory_space<vmem>>
      %dma_start3A_860 = arith.constant 0 : i32
      %dma_start3A_861 = arith.constant 0 : i32
      %dma_start3A_862 = tpu.memref_slice %arg2[%dma_start3A_860, %dma_start3A_861] : memref<10000x128xf32, #tpu.memory_space<hbm>> -> memref<10000x128xf32, #tpu.memory_space<hbm>>
      tpu.enqueue_indirect_dma source(%dma_start3A_862 : memref<10000x128xf32, #tpu.memory_space<hbm>>) target(%dma_start3A_856 : memref<128x128xf32, #tpu.memory_space<vmem>>) offsets(%dma_start3A_859 : memref<128xi32, #tpu.memory_space<vmem>>) semaphore(%arg9 : memref<!tpu.dma_semaphore, #tpu.memory_space<semaphore_mem>>)
      %dma_wait3A_863 = arith.constant 0 : i32
      %dma_wait3A_864 = arith.constant 0 : i32
      %dma_wait3A_865 = arith.constant 0 : i32
      %dma_wait3A_866 = tpu.memref_slice %arg7[%dma_wait3A_863, %dma_wait3A_864, %dma_wait3A_865] : memref<2x128x128xf32, #tpu.memory_space<vmem>> -> memref<1x128x128xf32, #tpu.memory_space<vmem>>
      %dma_wait3A_867 = tpu.memref_squeeze %dma_wait3A_866 : memref<1x128x128xf32, #tpu.memory_space<vmem>> -> memref<128x128xf32, #tpu.memory_space<vmem>>
      %dma_wait3A_868 = arith.constant 0 : i32
      %dma_wait3A_869 = arith.constant 0 : i32
      %dma_wait3A_870 = tpu.memref_slice %arg2[%dma_wait3A_868, %dma_wait3A_869] : memref<10000x128xf32, #tpu.memory_space<hbm>> -> memref<128x128xf32, #tpu.memory_space<hbm>>
      %dma_wait3A_871 = arith.constant 0 : i32
      %dma_wait3A_872 = arith.constant 0 : i32
      %dma_wait3A_873 = tpu.memref_slice %arg7[%dma_wait3A_863, %dma_wait3A_871, %dma_wait3A_872] : memref<2x128x128xf32, #tpu.memory_space<vmem>> -> memref<1x128x128xf32, #tpu.memory_space<vmem>>
      %dma_wait3A_874 = tpu.memref_squeeze %dma_wait3A_873 : memref<1x128x128xf32, #tpu.memory_space<vmem>> -> memref<128x128xf32, #tpu.memory_space<vmem>>
      %dma_wait3A_875 = arith.constant 0 : i32
      %dma_wait3A_876 = arith.constant 0 : i32
      %dma_wait3A_877 = tpu.memref_slice %arg2[%dma_wait3A_875, %dma_wait3A_876] : memref<10000x128xf32, #tpu.memory_space<hbm>> -> memref<128x128xf32, #tpu.memory_space<hbm>>
      tpu.wait_dma2 semaphore(%arg8 : memref<!tpu.dma_semaphore, #tpu.memory_space<semaphore_mem>>) src(%dma_wait3A_877 : memref<128x128xf32, #tpu.memory_space<hbm>>) dst(%dma_wait3A_874 : memref<128x128xf32, #tpu.memory_space<vmem>>)
      %dma_start3A_878 = arith.constant 0 : i32
      %dma_start3A_879 = arith.constant 1 : i32
      %dma_start3A_880 = arith.constant 1 : i32
      %dma_start3A_881 = arith.constant 2 : i32
      %dma_start3A_882 = arith.constant 0 : i32
      %dma_start3A_883 = arith.constant 0 : i32
      %dma_start3A_884 = tpu.memref_slice %arg7[%dma_start3A_878, %dma_start3A_882, %dma_start3A_883] : memref<2x128x128xf32, #tpu.memory_space<vmem>> -> memref<1x128x128xf32, #tpu.memory_space<vmem>>
      %dma_start3A_885 = tpu.memref_squeeze %dma_start3A_884 : memref<1x128x128xf32, #tpu.memory_space<vmem>> -> memref<128x128xf32, #tpu.memory_space<vmem>>
      %dma_start3A_886 = arith.constant 0 : i32
      %dma_start3A_887 = tpu.memref_slice %arg6[%dma_start3A_879, %dma_start3A_880, %dma_start3A_881, %dma_start3A_886] : memref<2x2x8x128xi32, #tpu.memory_space<vmem>> -> memref<1x1x1x128xi32, #tpu.memory_space<vmem>>
      %dma_start3A_888 = tpu.memref_squeeze %dma_start3A_887 : memref<1x1x1x128xi32, #tpu.memory_space<vmem>> -> memref<128xi32, #tpu.memory_space<vmem>>
      %dma_start3A_889 = arith.constant 0 : i32
      %dma_start3A_890 = arith.constant 0 : i32
      %dma_start3A_891 = tpu.memref_slice %arg5[%dma_start3A_889, %dma_start3A_890] : memref<10240x128xf32, #tpu.memory_space<vmem_shared>> -> memref<10240x128xf32, #tpu.memory_space<vmem_shared>>
      tpu.enqueue_indirect_dma source(%dma_start3A_885 : memref<128x128xf32, #tpu.memory_space<vmem>>) target(%dma_start3A_891 : memref<10240x128xf32, #tpu.memory_space<vmem_shared>>) offsets(%dma_start3A_888 : memref<128xi32, #tpu.memory_space<vmem>>) semaphore(%arg10 : memref<!tpu.dma_semaphore, #tpu.memory_space<semaphore_mem>>) {add = true}
      %dma_wait3A_892 = arith.constant 0 : i32
      %dma_wait3A_893 = arith.constant 0 : i32
      %dma_wait3A_894 = arith.constant 0 : i32
      %dma_wait3A_895 = tpu.memref_slice %arg7[%dma_wait3A_892, %dma_wait3A_893, %dma_wait3A_894] : memref<2x128x128xf32, #tpu.memory_space<vmem>> -> memref<1x128x128xf32, #tpu.memory_space<vmem>>
      %dma_wait3A_896 = tpu.memref_squeeze %dma_wait3A_895 : memref<1x128x128xf32, #tpu.memory_space<vmem>> -> memref<128x128xf32, #tpu.memory_space<vmem>>
      %dma_wait3A_897 = arith.constant 0 : i32
      %dma_wait3A_898 = arith.constant 0 : i32
      %dma_wait3A_899 = tpu.memref_slice %arg5[%dma_wait3A_897, %dma_wait3A_898] : memref<10240x128xf32, #tpu.memory_space<vmem_shared>> -> memref<128x128xf32, #tpu.memory_space<vmem_shared>>
      %dma_wait3A_900 = arith.constant 0 : i32
      %dma_wait3A_901 = arith.constant 0 : i32
      %dma_wait3A_902 = tpu.memref_slice %arg5[%dma_wait3A_900, %dma_wait3A_901] : memref<10240x128xf32, #tpu.memory_space<vmem_shared>> -> memref<128x128xf32, #tpu.memory_space<vmem_shared>>
      %dma_wait3A_903 = arith.constant 0 : i32
      %dma_wait3A_904 = arith.constant 0 : i32
      %dma_wait3A_905 = tpu.memref_slice %arg7[%dma_wait3A_892, %dma_wait3A_903, %dma_wait3A_904] : memref<2x128x128xf32, #tpu.memory_space<vmem>> -> memref<1x128x128xf32, #tpu.memory_space<vmem>>
      %dma_wait3A_906 = tpu.memref_squeeze %dma_wait3A_905 : memref<1x128x128xf32, #tpu.memory_space<vmem>> -> memref<128x128xf32, #tpu.memory_space<vmem>>
      tpu.wait_dma2 semaphore(%arg10 : memref<!tpu.dma_semaphore, #tpu.memory_space<semaphore_mem>>) src(%dma_wait3A_906 : memref<128x128xf32, #tpu.memory_space<vmem>>) dst(%dma_wait3A_902 : memref<128x128xf32, #tpu.memory_space<vmem_shared>>)
      %dma_start3A_907 = arith.constant 1 : i32
      %dma_start3A_908 = arith.constant 0 : i32
      %dma_start3A_909 = arith.constant 4 : i32
      %dma_start3A_910 = arith.constant 0 : i32
      %dma_start3A_911 = arith.constant 0 : i32
      %dma_start3A_912 = arith.constant 0 : i32
      %dma_start3A_913 = tpu.memref_slice %arg7[%dma_start3A_910, %dma_start3A_911, %dma_start3A_912] : memref<2x128x128xf32, #tpu.memory_space<vmem>> -> memref<1x128x128xf32, #tpu.memory_space<vmem>>
      %dma_start3A_914 = tpu.memref_squeeze %dma_start3A_913 : memref<1x128x128xf32, #tpu.memory_space<vmem>> -> memref<128x128xf32, #tpu.memory_space<vmem>>
      %dma_start3A_915 = arith.constant 0 : i32
      %dma_start3A_916 = tpu.memref_slice %arg6[%dma_start3A_907, %dma_start3A_908, %dma_start3A_909, %dma_start3A_915] : memref<2x2x8x128xi32, #tpu.memory_space<vmem>> -> memref<1x1x1x128xi32, #tpu.memory_space<vmem>>
      %dma_start3A_917 = tpu.memref_squeeze %dma_start3A_916 : memref<1x1x1x128xi32, #tpu.memory_space<vmem>> -> memref<128xi32, #tpu.memory_space<vmem>>
      %dma_start3A_918 = arith.constant 0 : i32
      %dma_start3A_919 = arith.constant 0 : i32
      %dma_start3A_920 = tpu.memref_slice %arg2[%dma_start3A_918, %dma_start3A_919] : memref<10000x128xf32, #tpu.memory_space<hbm>> -> memref<10000x128xf32, #tpu.memory_space<hbm>>
      tpu.enqueue_indirect_dma source(%dma_start3A_920 : memref<10000x128xf32, #tpu.memory_space<hbm>>) target(%dma_start3A_914 : memref<128x128xf32, #tpu.memory_space<vmem>>) offsets(%dma_start3A_917 : memref<128xi32, #tpu.memory_space<vmem>>) semaphore(%arg8 : memref<!tpu.dma_semaphore, #tpu.memory_space<semaphore_mem>>)
      %dma_wait3A_921 = arith.constant 1 : i32
      %dma_wait3A_922 = arith.constant 0 : i32
      %dma_wait3A_923 = arith.constant 0 : i32
      %dma_wait3A_924 = tpu.memref_slice %arg7[%dma_wait3A_921, %dma_wait3A_922, %dma_wait3A_923] : memref<2x128x128xf32, #tpu.memory_space<vmem>> -> memref<1x128x128xf32, #tpu.memory_space<vmem>>
      %dma_wait3A_925 = tpu.memref_squeeze %dma_wait3A_924 : memref<1x128x128xf32, #tpu.memory_space<vmem>> -> memref<128x128xf32, #tpu.memory_space<vmem>>
      %dma_wait3A_926 = arith.constant 0 : i32
      %dma_wait3A_927 = arith.constant 0 : i32
      %dma_wait3A_928 = tpu.memref_slice %arg2[%dma_wait3A_926, %dma_wait3A_927] : memref<10000x128xf32, #tpu.memory_space<hbm>> -> memref<128x128xf32, #tpu.memory_space<hbm>>
      %dma_wait3A_929 = arith.constant 0 : i32
      %dma_wait3A_930 = arith.constant 0 : i32
      %dma_wait3A_931 = tpu.memref_slice %arg7[%dma_wait3A_921, %dma_wait3A_929, %dma_wait3A_930] : memref<2x128x128xf32, #tpu.memory_space<vmem>> -> memref<1x128x128xf32, #tpu.memory_space<vmem>>
      %dma_wait3A_932 = tpu.memref_squeeze %dma_wait3A_931 : memref<1x128x128xf32, #tpu.memory_space<vmem>> -> memref<128x128xf32, #tpu.memory_space<vmem>>
      %dma_wait3A_933 = arith.constant 0 : i32
      %dma_wait3A_934 = arith.constant 0 : i32
      %dma_wait3A_935 = tpu.memref_slice %arg2[%dma_wait3A_933, %dma_wait3A_934] : memref<10000x128xf32, #tpu.memory_space<hbm>> -> memref<128x128xf32, #tpu.memory_space<hbm>>
      tpu.wait_dma2 semaphore(%arg9 : memref<!tpu.dma_semaphore, #tpu.memory_space<semaphore_mem>>) src(%dma_wait3A_935 : memref<128x128xf32, #tpu.memory_space<hbm>>) dst(%dma_wait3A_932 : memref<128x128xf32, #tpu.memory_space<vmem>>)
      %dma_start3A_936 = arith.constant 1 : i32
      %dma_start3A_937 = arith.constant 1 : i32
      %dma_start3A_938 = arith.constant 1 : i32
      %dma_start3A_939 = arith.constant 3 : i32
      %dma_start3A_940 = arith.constant 0 : i32
      %dma_start3A_941 = arith.constant 0 : i32
      %dma_start3A_942 = tpu.memref_slice %arg7[%dma_start3A_936, %dma_start3A_940, %dma_start3A_941] : memref<2x128x128xf32, #tpu.memory_space<vmem>> -> memref<1x128x128xf32, #tpu.memory_space<vmem>>
      %dma_start3A_943 = tpu.memref_squeeze %dma_start3A_942 : memref<1x128x128xf32, #tpu.memory_space<vmem>> -> memref<128x128xf32, #tpu.memory_space<vmem>>
      %dma_start3A_944 = arith.constant 0 : i32
      %dma_start3A_945 = tpu.memref_slice %arg6[%dma_start3A_937, %dma_start3A_938, %dma_start3A_939, %dma_start3A_944] : memref<2x2x8x128xi32, #tpu.memory_space<vmem>> -> memref<1x1x1x128xi32, #tpu.memory_space<vmem>>
      %dma_start3A_946 = tpu.memref_squeeze %dma_start3A_945 : memref<1x1x1x128xi32, #tpu.memory_space<vmem>> -> memref<128xi32, #tpu.memory_space<vmem>>
      %dma_start3A_947 = arith.constant 0 : i32
      %dma_start3A_948 = arith.constant 0 : i32
      %dma_start3A_949 = tpu.memref_slice %arg5[%dma_start3A_947, %dma_start3A_948] : memref<10240x128xf32, #tpu.memory_space<vmem_shared>> -> memref<10240x128xf32, #tpu.memory_space<vmem_shared>>
      tpu.enqueue_indirect_dma source(%dma_start3A_943 : memref<128x128xf32, #tpu.memory_space<vmem>>) target(%dma_start3A_949 : memref<10240x128xf32, #tpu.memory_space<vmem_shared>>) offsets(%dma_start3A_946 : memref<128xi32, #tpu.memory_space<vmem>>) semaphore(%arg11 : memref<!tpu.dma_semaphore, #tpu.memory_space<semaphore_mem>>) {add = true}
      %dma_wait3A_950 = arith.constant 1 : i32
      %dma_wait3A_951 = arith.constant 0 : i32
      %dma_wait3A_952 = arith.constant 0 : i32
      %dma_wait3A_953 = tpu.memref_slice %arg7[%dma_wait3A_950, %dma_wait3A_951, %dma_wait3A_952] : memref<2x128x128xf32, #tpu.memory_space<vmem>> -> memref<1x128x128xf32, #tpu.memory_space<vmem>>
      %dma_wait3A_954 = tpu.memref_squeeze %dma_wait3A_953 : memref<1x128x128xf32, #tpu.memory_space<vmem>> -> memref<128x128xf32, #tpu.memory_space<vmem>>
      %dma_wait3A_955 = arith.constant 0 : i32
      %dma_wait3A_956 = arith.constant 0 : i32
      %dma_wait3A_957 = tpu.memref_slice %arg5[%dma_wait3A_955, %dma_wait3A_956] : memref<10240x128xf32, #tpu.memory_space<vmem_shared>> -> memref<128x128xf32, #tpu.memory_space<vmem_shared>>
      %dma_wait3A_958 = arith.constant 0 : i32
      %dma_wait3A_959 = arith.constant 0 : i32
      %dma_wait3A_960 = tpu.memref_slice %arg5[%dma_wait3A_958, %dma_wait3A_959] : memref<10240x128xf32, #tpu.memory_space<vmem_shared>> -> memref<128x128xf32, #tpu.memory_space<vmem_shared>>
      %dma_wait3A_961 = arith.constant 0 : i32
      %dma_wait3A_962 = arith.constant 0 : i32
      %dma_wait3A_963 = tpu.memref_slice %arg7[%dma_wait3A_950, %dma_wait3A_961, %dma_wait3A_962] : memref<2x128x128xf32, #tpu.memory_space<vmem>> -> memref<1x128x128xf32, #tpu.memory_space<vmem>>
      %dma_wait3A_964 = tpu.memref_squeeze %dma_wait3A_963 : memref<1x128x128xf32, #tpu.memory_space<vmem>> -> memref<128x128xf32, #tpu.memory_space<vmem>>
      tpu.wait_dma2 semaphore(%arg11 : memref<!tpu.dma_semaphore, #tpu.memory_space<semaphore_mem>>) src(%dma_wait3A_964 : memref<128x128xf32, #tpu.memory_space<vmem>>) dst(%dma_wait3A_960 : memref<128x128xf32, #tpu.memory_space<vmem_shared>>)
      %dma_start3A_965 = arith.constant 1 : i32
      %dma_start3A_966 = arith.constant 0 : i32
      %dma_start3A_967 = arith.constant 5 : i32
      %dma_start3A_968 = arith.constant 1 : i32
      %dma_start3A_969 = arith.constant 0 : i32
      %dma_start3A_970 = arith.constant 0 : i32
      %dma_start3A_971 = tpu.memref_slice %arg7[%dma_start3A_968, %dma_start3A_969, %dma_start3A_970] : memref<2x128x128xf32, #tpu.memory_space<vmem>> -> memref<1x128x128xf32, #tpu.memory_space<vmem>>
      %dma_start3A_972 = tpu.memref_squeeze %dma_start3A_971 : memref<1x128x128xf32, #tpu.memory_space<vmem>> -> memref<128x128xf32, #tpu.memory_space<vmem>>
      %dma_start3A_973 = arith.constant 0 : i32
      %dma_start3A_974 = tpu.memref_slice %arg6[%dma_start3A_965, %dma_start3A_966, %dma_start3A_967, %dma_start3A_973] : memref<2x2x8x128xi32, #tpu.memory_space<vmem>> -> memref<1x1x1x128xi32, #tpu.memory_space<vmem>>
      %dma_start3A_975 = tpu.memref_squeeze %dma_start3A_974 : memref<1x1x1x128xi32, #tpu.memory_space<vmem>> -> memref<128xi32, #tpu.memory_space<vmem>>
      %dma_start3A_976 = arith.constant 0 : i32
      %dma_start3A_977 = arith.constant 0 : i32
      %dma_start3A_978 = tpu.memref_slice %arg2[%dma_start3A_976, %dma_start3A_977] : memref<10000x128xf32, #tpu.memory_space<hbm>> -> memref<10000x128xf32, #tpu.memory_space<hbm>>
      tpu.enqueue_indirect_dma source(%dma_start3A_978 : memref<10000x128xf32, #tpu.memory_space<hbm>>) target(%dma_start3A_972 : memref<128x128xf32, #tpu.memory_space<vmem>>) offsets(%dma_start3A_975 : memref<128xi32, #tpu.memory_space<vmem>>) semaphore(%arg9 : memref<!tpu.dma_semaphore, #tpu.memory_space<semaphore_mem>>)
      %dma_wait3A_979 = arith.constant 0 : i32
      %dma_wait3A_980 = arith.constant 0 : i32
      %dma_wait3A_981 = arith.constant 0 : i32
      %dma_wait3A_982 = tpu.memref_slice %arg7[%dma_wait3A_979, %dma_wait3A_980, %dma_wait3A_981] : memref<2x128x128xf32, #tpu.memory_space<vmem>> -> memref<1x128x128xf32, #tpu.memory_space<vmem>>
      %dma_wait3A_983 = tpu.memref_squeeze %dma_wait3A_982 : memref<1x128x128xf32, #tpu.memory_space<vmem>> -> memref<128x128xf32, #tpu.memory_space<vmem>>
      %dma_wait3A_984 = arith.constant 0 : i32
      %dma_wait3A_985 = arith.constant 0 : i32
      %dma_wait3A_986 = tpu.memref_slice %arg2[%dma_wait3A_984, %dma_wait3A_985] : memref<10000x128xf32, #tpu.memory_space<hbm>> -> memref<128x128xf32, #tpu.memory_space<hbm>>
      %dma_wait3A_987 = arith.constant 0 : i32
      %dma_wait3A_988 = arith.constant 0 : i32
      %dma_wait3A_989 = tpu.memref_slice %arg7[%dma_wait3A_979, %dma_wait3A_987, %dma_wait3A_988] : memref<2x128x128xf32, #tpu.memory_space<vmem>> -> memref<1x128x128xf32, #tpu.memory_space<vmem>>
      %dma_wait3A_990 = tpu.memref_squeeze %dma_wait3A_989 : memref<1x128x128xf32, #tpu.memory_space<vmem>> -> memref<128x128xf32, #tpu.memory_space<vmem>>
      %dma_wait3A_991 = arith.constant 0 : i32
      %dma_wait3A_992 = arith.constant 0 : i32
      %dma_wait3A_993 = tpu.memref_slice %arg2[%dma_wait3A_991, %dma_wait3A_992] : memref<10000x128xf32, #tpu.memory_space<hbm>> -> memref<128x128xf32, #tpu.memory_space<hbm>>
      tpu.wait_dma2 semaphore(%arg8 : memref<!tpu.dma_semaphore, #tpu.memory_space<semaphore_mem>>) src(%dma_wait3A_993 : memref<128x128xf32, #tpu.memory_space<hbm>>) dst(%dma_wait3A_990 : memref<128x128xf32, #tpu.memory_space<vmem>>)
      %dma_start3A_994 = arith.constant 0 : i32
      %dma_start3A_995 = arith.constant 1 : i32
      %dma_start3A_996 = arith.constant 1 : i32
      %dma_start3A_997 = arith.constant 4 : i32
      %dma_start3A_998 = arith.constant 0 : i32
      %dma_start3A_999 = arith.constant 0 : i32
      %dma_start3A_1000 = tpu.memref_slice %arg7[%dma_start3A_994, %dma_start3A_998, %dma_start3A_999] : memref<2x128x128xf32, #tpu.memory_space<vmem>> -> memref<1x128x128xf32, #tpu.memory_space<vmem>>
      %dma_start3A_1001 = tpu.memref_squeeze %dma_start3A_1000 : memref<1x128x128xf32, #tpu.memory_space<vmem>> -> memref<128x128xf32, #tpu.memory_space<vmem>>
      %dma_start3A_1002 = arith.constant 0 : i32
      %dma_start3A_1003 = tpu.memref_slice %arg6[%dma_start3A_995, %dma_start3A_996, %dma_start3A_997, %dma_start3A_1002] : memref<2x2x8x128xi32, #tpu.memory_space<vmem>> -> memref<1x1x1x128xi32, #tpu.memory_space<vmem>>
      %dma_start3A_1004 = tpu.memref_squeeze %dma_start3A_1003 : memref<1x1x1x128xi32, #tpu.memory_space<vmem>> -> memref<128xi32, #tpu.memory_space<vmem>>
      %dma_start3A_1005 = arith.constant 0 : i32
      %dma_start3A_1006 = arith.constant 0 : i32
      %dma_start3A_1007 = tpu.memref_slice %arg5[%dma_start3A_1005, %dma_start3A_1006] : memref<10240x128xf32, #tpu.memory_space<vmem_shared>> -> memref<10240x128xf32, #tpu.memory_space<vmem_shared>>
      tpu.enqueue_indirect_dma source(%dma_start3A_1001 : memref<128x128xf32, #tpu.memory_space<vmem>>) target(%dma_start3A_1007 : memref<10240x128xf32, #tpu.memory_space<vmem_shared>>) offsets(%dma_start3A_1004 : memref<128xi32, #tpu.memory_space<vmem>>) semaphore(%arg10 : memref<!tpu.dma_semaphore, #tpu.memory_space<semaphore_mem>>) {add = true}
      %dma_wait3A_1008 = arith.constant 0 : i32
      %dma_wait3A_1009 = arith.constant 0 : i32
      %dma_wait3A_1010 = arith.constant 0 : i32
      %dma_wait3A_1011 = tpu.memref_slice %arg7[%dma_wait3A_1008, %dma_wait3A_1009, %dma_wait3A_1010] : memref<2x128x128xf32, #tpu.memory_space<vmem>> -> memref<1x128x128xf32, #tpu.memory_space<vmem>>
      %dma_wait3A_1012 = tpu.memref_squeeze %dma_wait3A_1011 : memref<1x128x128xf32, #tpu.memory_space<vmem>> -> memref<128x128xf32, #tpu.memory_space<vmem>>
      %dma_wait3A_1013 = arith.constant 0 : i32
      %dma_wait3A_1014 = arith.constant 0 : i32
      %dma_wait3A_1015 = tpu.memref_slice %arg5[%dma_wait3A_1013, %dma_wait3A_1014] : memref<10240x128xf32, #tpu.memory_space<vmem_shared>> -> memref<128x128xf32, #tpu.memory_space<vmem_shared>>
      %dma_wait3A_1016 = arith.constant 0 : i32
      %dma_wait3A_1017 = arith.constant 0 : i32
      %dma_wait3A_1018 = tpu.memref_slice %arg5[%dma_wait3A_1016, %dma_wait3A_1017] : memref<10240x128xf32, #tpu.memory_space<vmem_shared>> -> memref<128x128xf32, #tpu.memory_space<vmem_shared>>
      %dma_wait3A_1019 = arith.constant 0 : i32
      %dma_wait3A_1020 = arith.constant 0 : i32
      %dma_wait3A_1021 = tpu.memref_slice %arg7[%dma_wait3A_1008, %dma_wait3A_1019, %dma_wait3A_1020] : memref<2x128x128xf32, #tpu.memory_space<vmem>> -> memref<1x128x128xf32, #tpu.memory_space<vmem>>
      %dma_wait3A_1022 = tpu.memref_squeeze %dma_wait3A_1021 : memref<1x128x128xf32, #tpu.memory_space<vmem>> -> memref<128x128xf32, #tpu.memory_space<vmem>>
      tpu.wait_dma2 semaphore(%arg10 : memref<!tpu.dma_semaphore, #tpu.memory_space<semaphore_mem>>) src(%dma_wait3A_1022 : memref<128x128xf32, #tpu.memory_space<vmem>>) dst(%dma_wait3A_1018 : memref<128x128xf32, #tpu.memory_space<vmem_shared>>)
      %dma_start3A_1023 = arith.constant 1 : i32
      %dma_start3A_1024 = arith.constant 0 : i32
      %dma_start3A_1025 = arith.constant 6 : i32
      %dma_start3A_1026 = arith.constant 0 : i32
      %dma_start3A_1027 = arith.constant 0 : i32
      %dma_start3A_1028 = arith.constant 0 : i32
      %dma_start3A_1029 = tpu.memref_slice %arg7[%dma_start3A_1026, %dma_start3A_1027, %dma_start3A_1028] : memref<2x128x128xf32, #tpu.memory_space<vmem>> -> memref<1x128x128xf32, #tpu.memory_space<vmem>>
      %dma_start3A_1030 = tpu.memref_squeeze %dma_start3A_1029 : memref<1x128x128xf32, #tpu.memory_space<vmem>> -> memref<128x128xf32, #tpu.memory_space<vmem>>
      %dma_start3A_1031 = arith.constant 0 : i32
      %dma_start3A_1032 = tpu.memref_slice %arg6[%dma_start3A_1023, %dma_start3A_1024, %dma_start3A_1025, %dma_start3A_1031] : memref<2x2x8x128xi32, #tpu.memory_space<vmem>> -> memref<1x1x1x128xi32, #tpu.memory_space<vmem>>
      %dma_start3A_1033 = tpu.memref_squeeze %dma_start3A_1032 : memref<1x1x1x128xi32, #tpu.memory_space<vmem>> -> memref<128xi32, #tpu.memory_space<vmem>>
      %dma_start3A_1034 = arith.constant 0 : i32
      %dma_start3A_1035 = arith.constant 0 : i32
      %dma_start3A_1036 = tpu.memref_slice %arg2[%dma_start3A_1034, %dma_start3A_1035] : memref<10000x128xf32, #tpu.memory_space<hbm>> -> memref<10000x128xf32, #tpu.memory_space<hbm>>
      tpu.enqueue_indirect_dma source(%dma_start3A_1036 : memref<10000x128xf32, #tpu.memory_space<hbm>>) target(%dma_start3A_1030 : memref<128x128xf32, #tpu.memory_space<vmem>>) offsets(%dma_start3A_1033 : memref<128xi32, #tpu.memory_space<vmem>>) semaphore(%arg8 : memref<!tpu.dma_semaphore, #tpu.memory_space<semaphore_mem>>)
      %dma_wait3A_1037 = arith.constant 1 : i32
      %dma_wait3A_1038 = arith.constant 0 : i32
      %dma_wait3A_1039 = arith.constant 0 : i32
      %dma_wait3A_1040 = tpu.memref_slice %arg7[%dma_wait3A_1037, %dma_wait3A_1038, %dma_wait3A_1039] : memref<2x128x128xf32, #tpu.memory_space<vmem>> -> memref<1x128x128xf32, #tpu.memory_space<vmem>>
      %dma_wait3A_1041 = tpu.memref_squeeze %dma_wait3A_1040 : memref<1x128x128xf32, #tpu.memory_space<vmem>> -> memref<128x128xf32, #tpu.memory_space<vmem>>
      %dma_wait3A_1042 = arith.constant 0 : i32
      %dma_wait3A_1043 = arith.constant 0 : i32
      %dma_wait3A_1044 = tpu.memref_slice %arg2[%dma_wait3A_1042, %dma_wait3A_1043] : memref<10000x128xf32, #tpu.memory_space<hbm>> -> memref<128x128xf32, #tpu.memory_space<hbm>>
      %dma_wait3A_1045 = arith.constant 0 : i32
      %dma_wait3A_1046 = arith.constant 0 : i32
      %dma_wait3A_1047 = tpu.memref_slice %arg7[%dma_wait3A_1037, %dma_wait3A_1045, %dma_wait3A_1046] : memref<2x128x128xf32, #tpu.memory_space<vmem>> -> memref<1x128x128xf32, #tpu.memory_space<vmem>>
      %dma_wait3A_1048 = tpu.memref_squeeze %dma_wait3A_1047 : memref<1x128x128xf32, #tpu.memory_space<vmem>> -> memref<128x128xf32, #tpu.memory_space<vmem>>
      %dma_wait3A_1049 = arith.constant 0 : i32
      %dma_wait3A_1050 = arith.constant 0 : i32
      %dma_wait3A_1051 = tpu.memref_slice %arg2[%dma_wait3A_1049, %dma_wait3A_1050] : memref<10000x128xf32, #tpu.memory_space<hbm>> -> memref<128x128xf32, #tpu.memory_space<hbm>>
      tpu.wait_dma2 semaphore(%arg9 : memref<!tpu.dma_semaphore, #tpu.memory_space<semaphore_mem>>) src(%dma_wait3A_1051 : memref<128x128xf32, #tpu.memory_space<hbm>>) dst(%dma_wait3A_1048 : memref<128x128xf32, #tpu.memory_space<vmem>>)
      %dma_start3A_1052 = arith.constant 1 : i32
      %dma_start3A_1053 = arith.constant 1 : i32
      %dma_start3A_1054 = arith.constant 1 : i32
      %dma_start3A_1055 = arith.constant 5 : i32
      %dma_start3A_1056 = arith.constant 0 : i32
      %dma_start3A_1057 = arith.constant 0 : i32
      %dma_start3A_1058 = tpu.memref_slice %arg7[%dma_start3A_1052, %dma_start3A_1056, %dma_start3A_1057] : memref<2x128x128xf32, #tpu.memory_space<vmem>> -> memref<1x128x128xf32, #tpu.memory_space<vmem>>
      %dma_start3A_1059 = tpu.memref_squeeze %dma_start3A_1058 : memref<1x128x128xf32, #tpu.memory_space<vmem>> -> memref<128x128xf32, #tpu.memory_space<vmem>>
      %dma_start3A_1060 = arith.constant 0 : i32
      %dma_start3A_1061 = tpu.memref_slice %arg6[%dma_start3A_1053, %dma_start3A_1054, %dma_start3A_1055, %dma_start3A_1060] : memref<2x2x8x128xi32, #tpu.memory_space<vmem>> -> memref<1x1x1x128xi32, #tpu.memory_space<vmem>>
      %dma_start3A_1062 = tpu.memref_squeeze %dma_start3A_1061 : memref<1x1x1x128xi32, #tpu.memory_space<vmem>> -> memref<128xi32, #tpu.memory_space<vmem>>
      %dma_start3A_1063 = arith.constant 0 : i32
      %dma_start3A_1064 = arith.constant 0 : i32
      %dma_start3A_1065 = tpu.memref_slice %arg5[%dma_start3A_1063, %dma_start3A_1064] : memref<10240x128xf32, #tpu.memory_space<vmem_shared>> -> memref<10240x128xf32, #tpu.memory_space<vmem_shared>>
      tpu.enqueue_indirect_dma source(%dma_start3A_1059 : memref<128x128xf32, #tpu.memory_space<vmem>>) target(%dma_start3A_1065 : memref<10240x128xf32, #tpu.memory_space<vmem_shared>>) offsets(%dma_start3A_1062 : memref<128xi32, #tpu.memory_space<vmem>>) semaphore(%arg11 : memref<!tpu.dma_semaphore, #tpu.memory_space<semaphore_mem>>) {add = true}
      %dma_wait3A_1066 = arith.constant 1 : i32
      %dma_wait3A_1067 = arith.constant 0 : i32
      %dma_wait3A_1068 = arith.constant 0 : i32
      %dma_wait3A_1069 = tpu.memref_slice %arg7[%dma_wait3A_1066, %dma_wait3A_1067, %dma_wait3A_1068] : memref<2x128x128xf32, #tpu.memory_space<vmem>> -> memref<1x128x128xf32, #tpu.memory_space<vmem>>
      %dma_wait3A_1070 = tpu.memref_squeeze %dma_wait3A_1069 : memref<1x128x128xf32, #tpu.memory_space<vmem>> -> memref<128x128xf32, #tpu.memory_space<vmem>>
      %dma_wait3A_1071 = arith.constant 0 : i32
      %dma_wait3A_1072 = arith.constant 0 : i32
      %dma_wait3A_1073 = tpu.memref_slice %arg5[%dma_wait3A_1071, %dma_wait3A_1072] : memref<10240x128xf32, #tpu.memory_space<vmem_shared>> -> memref<128x128xf32, #tpu.memory_space<vmem_shared>>
      %dma_wait3A_1074 = arith.constant 0 : i32
      %dma_wait3A_1075 = arith.constant 0 : i32
      %dma_wait3A_1076 = tpu.memref_slice %arg5[%dma_wait3A_1074, %dma_wait3A_1075] : memref<10240x128xf32, #tpu.memory_space<vmem_shared>> -> memref<128x128xf32, #tpu.memory_space<vmem_shared>>
      %dma_wait3A_1077 = arith.constant 0 : i32
      %dma_wait3A_1078 = arith.constant 0 : i32
      %dma_wait3A_1079 = tpu.memref_slice %arg7[%dma_wait3A_1066, %dma_wait3A_1077, %dma_wait3A_1078] : memref<2x128x128xf32, #tpu.memory_space<vmem>> -> memref<1x128x128xf32, #tpu.memory_space<vmem>>
      %dma_wait3A_1080 = tpu.memref_squeeze %dma_wait3A_1079 : memref<1x128x128xf32, #tpu.memory_space<vmem>> -> memref<128x128xf32, #tpu.memory_space<vmem>>
      tpu.wait_dma2 semaphore(%arg11 : memref<!tpu.dma_semaphore, #tpu.memory_space<semaphore_mem>>) src(%dma_wait3A_1080 : memref<128x128xf32, #tpu.memory_space<vmem>>) dst(%dma_wait3A_1076 : memref<128x128xf32, #tpu.memory_space<vmem_shared>>)
      %dma_start3A_1081 = arith.constant 1 : i32
      %dma_start3A_1082 = arith.constant 0 : i32
      %dma_start3A_1083 = arith.constant 7 : i32
      %dma_start3A_1084 = arith.constant 1 : i32
      %dma_start3A_1085 = arith.constant 0 : i32
      %dma_start3A_1086 = arith.constant 0 : i32
      %dma_start3A_1087 = tpu.memref_slice %arg7[%dma_start3A_1084, %dma_start3A_1085, %dma_start3A_1086] : memref<2x128x128xf32, #tpu.memory_space<vmem>> -> memref<1x128x128xf32, #tpu.memory_space<vmem>>
      %dma_start3A_1088 = tpu.memref_squeeze %dma_start3A_1087 : memref<1x128x128xf32, #tpu.memory_space<vmem>> -> memref<128x128xf32, #tpu.memory_space<vmem>>
      %dma_start3A_1089 = arith.constant 0 : i32
      %dma_start3A_1090 = tpu.memref_slice %arg6[%dma_start3A_1081, %dma_start3A_1082, %dma_start3A_1083, %dma_start3A_1089] : memref<2x2x8x128xi32, #tpu.memory_space<vmem>> -> memref<1x1x1x128xi32, #tpu.memory_space<vmem>>
      %dma_start3A_1091 = tpu.memref_squeeze %dma_start3A_1090 : memref<1x1x1x128xi32, #tpu.memory_space<vmem>> -> memref<128xi32, #tpu.memory_space<vmem>>
      %dma_start3A_1092 = arith.constant 0 : i32
      %dma_start3A_1093 = arith.constant 0 : i32
      %dma_start3A_1094 = tpu.memref_slice %arg2[%dma_start3A_1092, %dma_start3A_1093] : memref<10000x128xf32, #tpu.memory_space<hbm>> -> memref<10000x128xf32, #tpu.memory_space<hbm>>
      tpu.enqueue_indirect_dma source(%dma_start3A_1094 : memref<10000x128xf32, #tpu.memory_space<hbm>>) target(%dma_start3A_1088 : memref<128x128xf32, #tpu.memory_space<vmem>>) offsets(%dma_start3A_1091 : memref<128xi32, #tpu.memory_space<vmem>>) semaphore(%arg9 : memref<!tpu.dma_semaphore, #tpu.memory_space<semaphore_mem>>)
      %dma_wait3A_1095 = arith.constant 0 : i32
      %dma_wait3A_1096 = arith.constant 0 : i32
      %dma_wait3A_1097 = arith.constant 0 : i32
      %dma_wait3A_1098 = tpu.memref_slice %arg7[%dma_wait3A_1095, %dma_wait3A_1096, %dma_wait3A_1097] : memref<2x128x128xf32, #tpu.memory_space<vmem>> -> memref<1x128x128xf32, #tpu.memory_space<vmem>>
      %dma_wait3A_1099 = tpu.memref_squeeze %dma_wait3A_1098 : memref<1x128x128xf32, #tpu.memory_space<vmem>> -> memref<128x128xf32, #tpu.memory_space<vmem>>
      %dma_wait3A_1100 = arith.constant 0 : i32
      %dma_wait3A_1101 = arith.constant 0 : i32
      %dma_wait3A_1102 = tpu.memref_slice %arg2[%dma_wait3A_1100, %dma_wait3A_1101] : memref<10000x128xf32, #tpu.memory_space<hbm>> -> memref<128x128xf32, #tpu.memory_space<hbm>>
      %dma_wait3A_1103 = arith.constant 0 : i32
      %dma_wait3A_1104 = arith.constant 0 : i32
      %dma_wait3A_1105 = tpu.memref_slice %arg7[%dma_wait3A_1095, %dma_wait3A_1103, %dma_wait3A_1104] : memref<2x128x128xf32, #tpu.memory_space<vmem>> -> memref<1x128x128xf32, #tpu.memory_space<vmem>>
      %dma_wait3A_1106 = tpu.memref_squeeze %dma_wait3A_1105 : memref<1x128x128xf32, #tpu.memory_space<vmem>> -> memref<128x128xf32, #tpu.memory_space<vmem>>
      %dma_wait3A_1107 = arith.constant 0 : i32
      %dma_wait3A_1108 = arith.constant 0 : i32
      %dma_wait3A_1109 = tpu.memref_slice %arg2[%dma_wait3A_1107, %dma_wait3A_1108] : memref<10000x128xf32, #tpu.memory_space<hbm>> -> memref<128x128xf32, #tpu.memory_space<hbm>>
      tpu.wait_dma2 semaphore(%arg8 : memref<!tpu.dma_semaphore, #tpu.memory_space<semaphore_mem>>) src(%dma_wait3A_1109 : memref<128x128xf32, #tpu.memory_space<hbm>>) dst(%dma_wait3A_1106 : memref<128x128xf32, #tpu.memory_space<vmem>>)
      %dma_start3A_1110 = arith.constant 0 : i32
      %dma_start3A_1111 = arith.constant 1 : i32
      %dma_start3A_1112 = arith.constant 1 : i32
      %dma_start3A_1113 = arith.constant 6 : i32
      %dma_start3A_1114 = arith.constant 0 : i32
      %dma_start3A_1115 = arith.constant 0 : i32
      %dma_start3A_1116 = tpu.memref_slice %arg7[%dma_start3A_1110, %dma_start3A_1114, %dma_start3A_1115] : memref<2x128x128xf32, #tpu.memory_space<vmem>> -> memref<1x128x128xf32, #tpu.memory_space<vmem>>
      %dma_start3A_1117 = tpu.memref_squeeze %dma_start3A_1116 : memref<1x128x128xf32, #tpu.memory_space<vmem>> -> memref<128x128xf32, #tpu.memory_space<vmem>>
      %dma_start3A_1118 = arith.constant 0 : i32
      %dma_start3A_1119 = tpu.memref_slice %arg6[%dma_start3A_1111, %dma_start3A_1112, %dma_start3A_1113, %dma_start3A_1118] : memref<2x2x8x128xi32, #tpu.memory_space<vmem>> -> memref<1x1x1x128xi32, #tpu.memory_space<vmem>>
      %dma_start3A_1120 = tpu.memref_squeeze %dma_start3A_1119 : memref<1x1x1x128xi32, #tpu.memory_space<vmem>> -> memref<128xi32, #tpu.memory_space<vmem>>
      %dma_start3A_1121 = arith.constant 0 : i32
      %dma_start3A_1122 = arith.constant 0 : i32
      %dma_start3A_1123 = tpu.memref_slice %arg5[%dma_start3A_1121, %dma_start3A_1122] : memref<10240x128xf32, #tpu.memory_space<vmem_shared>> -> memref<10240x128xf32, #tpu.memory_space<vmem_shared>>
      tpu.enqueue_indirect_dma source(%dma_start3A_1117 : memref<128x128xf32, #tpu.memory_space<vmem>>) target(%dma_start3A_1123 : memref<10240x128xf32, #tpu.memory_space<vmem_shared>>) offsets(%dma_start3A_1120 : memref<128xi32, #tpu.memory_space<vmem>>) semaphore(%arg10 : memref<!tpu.dma_semaphore, #tpu.memory_space<semaphore_mem>>) {add = true}
      %dma_wait3A_1124 = arith.constant 0 : i32
      %dma_wait3A_1125 = arith.constant 0 : i32
      %dma_wait3A_1126 = arith.constant 0 : i32
      %dma_wait3A_1127 = tpu.memref_slice %arg7[%dma_wait3A_1124, %dma_wait3A_1125, %dma_wait3A_1126] : memref<2x128x128xf32, #tpu.memory_space<vmem>> -> memref<1x128x128xf32, #tpu.memory_space<vmem>>
      %dma_wait3A_1128 = tpu.memref_squeeze %dma_wait3A_1127 : memref<1x128x128xf32, #tpu.memory_space<vmem>> -> memref<128x128xf32, #tpu.memory_space<vmem>>
      %dma_wait3A_1129 = arith.constant 0 : i32
      %dma_wait3A_1130 = arith.constant 0 : i32
      %dma_wait3A_1131 = tpu.memref_slice %arg5[%dma_wait3A_1129, %dma_wait3A_1130] : memref<10240x128xf32, #tpu.memory_space<vmem_shared>> -> memref<128x128xf32, #tpu.memory_space<vmem_shared>>
      %dma_wait3A_1132 = arith.constant 0 : i32
      %dma_wait3A_1133 = arith.constant 0 : i32
      %dma_wait3A_1134 = tpu.memref_slice %arg5[%dma_wait3A_1132, %dma_wait3A_1133] : memref<10240x128xf32, #tpu.memory_space<vmem_shared>> -> memref<128x128xf32, #tpu.memory_space<vmem_shared>>
      %dma_wait3A_1135 = arith.constant 0 : i32
      %dma_wait3A_1136 = arith.constant 0 : i32
      %dma_wait3A_1137 = tpu.memref_slice %arg7[%dma_wait3A_1124, %dma_wait3A_1135, %dma_wait3A_1136] : memref<2x128x128xf32, #tpu.memory_space<vmem>> -> memref<1x128x128xf32, #tpu.memory_space<vmem>>
      %dma_wait3A_1138 = tpu.memref_squeeze %dma_wait3A_1137 : memref<1x128x128xf32, #tpu.memory_space<vmem>> -> memref<128x128xf32, #tpu.memory_space<vmem>>
      tpu.wait_dma2 semaphore(%arg10 : memref<!tpu.dma_semaphore, #tpu.memory_space<semaphore_mem>>) src(%dma_wait3A_1138 : memref<128x128xf32, #tpu.memory_space<vmem>>) dst(%dma_wait3A_1134 : memref<128x128xf32, #tpu.memory_space<vmem_shared>>)
      %convert_element_type3A_1139 = arith.extui %lt3A_259 : i1 to i32
      %cond3A_1140 = arith.constant 0 : i32
      %cond3A_1141 = arith.cmpi ne, %convert_element_type3A_1139, %cond3A_1140 : i32
      scf.if %cond3A_1141 {
        %dma_wait3A_1196 = arith.constant 0 : i32
        %dma_wait3A_1197 = arith.constant 0 : i32
        %dma_wait3A_1198 = arith.constant 0 : i32
        %dma_wait3A_1199 = arith.constant 0 : i32
        %dma_wait3A_1200 = arith.constant 0 : i32
        %dma_wait3A_1201 = tpu.memref_slice %arg6[%dma_wait3A_1197, %dma_wait3A_1198, %dma_wait3A_1199, %dma_wait3A_1200] : memref<2x2x8x128xi32, #tpu.memory_space<vmem>> -> memref<1x2x8x128xi32, #tpu.memory_space<vmem>>
        %dma_wait3A_1202 = tpu.memref_squeeze %dma_wait3A_1201 : memref<1x2x8x128xi32, #tpu.memory_space<vmem>> -> memref<2x8x128xi32, #tpu.memory_space<vmem>>
        %dma_wait3A_1203 = arith.constant 0 : i32
        %dma_wait3A_1204 = arith.constant 0 : i32
        %dma_wait3A_1205 = arith.constant 0 : i32
        %dma_wait3A_1206 = tpu.memref_slice %arg3[%dma_wait3A_1196, %dma_wait3A_1203, %dma_wait3A_1204, %dma_wait3A_1205] : memref<320x2x8x128xi32, #tpu.memory_space<hbm>> -> memref<1x2x8x128xi32, #tpu.memory_space<hbm>>
        %dma_wait3A_1207 = tpu.memref_squeeze %dma_wait3A_1206 : memref<1x2x8x128xi32, #tpu.memory_space<hbm>> -> memref<2x8x128xi32, #tpu.memory_space<hbm>>
        %dma_wait3A_1208 = arith.constant 0 : i32
        %dma_wait3A_1209 = arith.constant 0 : i32
        %dma_wait3A_1210 = arith.constant 0 : i32
        %dma_wait3A_1211 = tpu.memref_slice %arg6[%dma_wait3A_1197, %dma_wait3A_1208, %dma_wait3A_1209, %dma_wait3A_1210] : memref<2x2x8x128xi32, #tpu.memory_space<vmem>> -> memref<1x2x8x128xi32, #tpu.memory_space<vmem>>
        %dma_wait3A_1212 = tpu.memref_squeeze %dma_wait3A_1211 : memref<1x2x8x128xi32, #tpu.memory_space<vmem>> -> memref<2x8x128xi32, #tpu.memory_space<vmem>>
        %dma_wait3A_1213 = arith.constant 0 : i32
        %dma_wait3A_1214 = arith.constant 0 : i32
        %dma_wait3A_1215 = arith.constant 0 : i32
        %dma_wait3A_1216 = tpu.memref_slice %arg3[%dma_wait3A_1196, %dma_wait3A_1213, %dma_wait3A_1214, %dma_wait3A_1215] : memref<320x2x8x128xi32, #tpu.memory_space<hbm>> -> memref<1x2x8x128xi32, #tpu.memory_space<hbm>>
        %dma_wait3A_1217 = tpu.memref_squeeze %dma_wait3A_1216 : memref<1x2x8x128xi32, #tpu.memory_space<hbm>> -> memref<2x8x128xi32, #tpu.memory_space<hbm>>
        tpu.wait_dma2 semaphore(%arg12 : memref<!tpu.dma_semaphore, #tpu.memory_space<semaphore_mem>>) src(%dma_wait3A_1217 : memref<2x8x128xi32, #tpu.memory_space<hbm>>) dst(%dma_wait3A_1212 : memref<2x8x128xi32, #tpu.memory_space<vmem>>)
      } else {
      }
      %convert_element_type3A_1142 = arith.extui %lt3A_259 : i1 to i32
      %cond3A_1143 = arith.constant 0 : i32
      %cond3A_1144 = arith.cmpi ne, %convert_element_type3A_1142, %cond3A_1143 : i32
      scf.if %cond3A_1144 {
        %dma_start3A_1196 = arith.constant 0 : i32
        %dma_start3A_1197 = arith.constant 0 : i32
        %dma_start3A_1198 = arith.constant 0 : i32
        %dma_start3A_1199 = arith.constant 0 : i32
        %dma_start3A_1200 = arith.constant 0 : i32
        %dma_start3A_1201 = arith.constant 0 : i32
        %dma_start3A_1202 = tpu.memref_slice %arg7[%dma_start3A_1199, %dma_start3A_1200, %dma_start3A_1201] : memref<2x128x128xf32, #tpu.memory_space<vmem>> -> memref<1x128x128xf32, #tpu.memory_space<vmem>>
        %dma_start3A_1203 = tpu.memref_squeeze %dma_start3A_1202 : memref<1x128x128xf32, #tpu.memory_space<vmem>> -> memref<128x128xf32, #tpu.memory_space<vmem>>
        %dma_start3A_1204 = arith.constant 0 : i32
        %dma_start3A_1205 = tpu.memref_slice %arg6[%dma_start3A_1196, %dma_start3A_1197, %dma_start3A_1198, %dma_start3A_1204] : memref<2x2x8x128xi32, #tpu.memory_space<vmem>> -> memref<1x1x1x128xi32, #tpu.memory_space<vmem>>
        %dma_start3A_1206 = tpu.memref_squeeze %dma_start3A_1205 : memref<1x1x1x128xi32, #tpu.memory_space<vmem>> -> memref<128xi32, #tpu.memory_space<vmem>>
        %dma_start3A_1207 = arith.constant 0 : i32
        %dma_start3A_1208 = arith.constant 0 : i32
        %dma_start3A_1209 = tpu.memref_slice %arg2[%dma_start3A_1207, %dma_start3A_1208] : memref<10000x128xf32, #tpu.memory_space<hbm>> -> memref<10000x128xf32, #tpu.memory_space<hbm>>
        tpu.enqueue_indirect_dma source(%dma_start3A_1209 : memref<10000x128xf32, #tpu.memory_space<hbm>>) target(%dma_start3A_1203 : memref<128x128xf32, #tpu.memory_space<vmem>>) offsets(%dma_start3A_1206 : memref<128xi32, #tpu.memory_space<vmem>>) semaphore(%arg8 : memref<!tpu.dma_semaphore, #tpu.memory_space<semaphore_mem>>)
      } else {
      }
      %dma_wait3A_1145 = arith.constant 1 : i32
      %dma_wait3A_1146 = arith.constant 0 : i32
      %dma_wait3A_1147 = arith.constant 0 : i32
      %dma_wait3A_1148 = tpu.memref_slice %arg7[%dma_wait3A_1145, %dma_wait3A_1146, %dma_wait3A_1147] : memref<2x128x128xf32, #tpu.memory_space<vmem>> -> memref<1x128x128xf32, #tpu.memory_space<vmem>>
      %dma_wait3A_1149 = tpu.memref_squeeze %dma_wait3A_1148 : memref<1x128x128xf32, #tpu.memory_space<vmem>> -> memref<128x128xf32, #tpu.memory_space<vmem>>
      %dma_wait3A_1150 = arith.constant 0 : i32
      %dma_wait3A_1151 = arith.constant 0 : i32
      %dma_wait3A_1152 = tpu.memref_slice %arg2[%dma_wait3A_1150, %dma_wait3A_1151] : memref<10000x128xf32, #tpu.memory_space<hbm>> -> memref<128x128xf32, #tpu.memory_space<hbm>>
      %dma_wait3A_1153 = arith.constant 0 : i32
      %dma_wait3A_1154 = arith.constant 0 : i32
      %dma_wait3A_1155 = tpu.memref_slice %arg7[%dma_wait3A_1145, %dma_wait3A_1153, %dma_wait3A_1154] : memref<2x128x128xf32, #tpu.memory_space<vmem>> -> memref<1x128x128xf32, #tpu.memory_space<vmem>>
      %dma_wait3A_1156 = tpu.memref_squeeze %dma_wait3A_1155 : memref<1x128x128xf32, #tpu.memory_space<vmem>> -> memref<128x128xf32, #tpu.memory_space<vmem>>
      %dma_wait3A_1157 = arith.constant 0 : i32
      %dma_wait3A_1158 = arith.constant 0 : i32
      %dma_wait3A_1159 = tpu.memref_slice %arg2[%dma_wait3A_1157, %dma_wait3A_1158] : memref<10000x128xf32, #tpu.memory_space<hbm>> -> memref<128x128xf32, #tpu.memory_space<hbm>>
      tpu.wait_dma2 semaphore(%arg9 : memref<!tpu.dma_semaphore, #tpu.memory_space<semaphore_mem>>) src(%dma_wait3A_1159 : memref<128x128xf32, #tpu.memory_space<hbm>>) dst(%dma_wait3A_1156 : memref<128x128xf32, #tpu.memory_space<vmem>>)
      %dma_start3A_1160 = arith.constant 1 : i32
      %dma_start3A_1161 = arith.constant 1 : i32
      %dma_start3A_1162 = arith.constant 1 : i32
      %dma_start3A_1163 = arith.constant 7 : i32
      %dma_start3A_1164 = arith.constant 0 : i32
      %dma_start3A_1165 = arith.constant 0 : i32
      %dma_start3A_1166 = tpu.memref_slice %arg7[%dma_start3A_1160, %dma_start3A_1164, %dma_start3A_1165] : memref<2x128x128xf32, #tpu.memory_space<vmem>> -> memref<1x128x128xf32, #tpu.memory_space<vmem>>
      %dma_start3A_1167 = tpu.memref_squeeze %dma_start3A_1166 : memref<1x128x128xf32, #tpu.memory_space<vmem>> -> memref<128x128xf32, #tpu.memory_space<vmem>>
      %dma_start3A_1168 = arith.constant 0 : i32
      %dma_start3A_1169 = tpu.memref_slice %arg6[%dma_start3A_1161, %dma_start3A_1162, %dma_start3A_1163, %dma_start3A_1168] : memref<2x2x8x128xi32, #tpu.memory_space<vmem>> -> memref<1x1x1x128xi32, #tpu.memory_space<vmem>>
      %dma_start3A_1170 = tpu.memref_squeeze %dma_start3A_1169 : memref<1x1x1x128xi32, #tpu.memory_space<vmem>> -> memref<128xi32, #tpu.memory_space<vmem>>
      %dma_start3A_1171 = arith.constant 0 : i32
      %dma_start3A_1172 = arith.constant 0 : i32
      %dma_start3A_1173 = tpu.memref_slice %arg5[%dma_start3A_1171, %dma_start3A_1172] : memref<10240x128xf32, #tpu.memory_space<vmem_shared>> -> memref<10240x128xf32, #tpu.memory_space<vmem_shared>>
      tpu.enqueue_indirect_dma source(%dma_start3A_1167 : memref<128x128xf32, #tpu.memory_space<vmem>>) target(%dma_start3A_1173 : memref<10240x128xf32, #tpu.memory_space<vmem_shared>>) offsets(%dma_start3A_1170 : memref<128xi32, #tpu.memory_space<vmem>>) semaphore(%arg11 : memref<!tpu.dma_semaphore, #tpu.memory_space<semaphore_mem>>) {add = true}
      %dma_wait3A_1174 = arith.constant 1 : i32
      %dma_wait3A_1175 = arith.constant 0 : i32
      %dma_wait3A_1176 = arith.constant 0 : i32
      %dma_wait3A_1177 = tpu.memref_slice %arg7[%dma_wait3A_1174, %dma_wait3A_1175, %dma_wait3A_1176] : memref<2x128x128xf32, #tpu.memory_space<vmem>> -> memref<1x128x128xf32, #tpu.memory_space<vmem>>
      %dma_wait3A_1178 = tpu.memref_squeeze %dma_wait3A_1177 : memref<1x128x128xf32, #tpu.memory_space<vmem>> -> memref<128x128xf32, #tpu.memory_space<vmem>>
      %dma_wait3A_1179 = arith.constant 0 : i32
      %dma_wait3A_1180 = arith.constant 0 : i32
      %dma_wait3A_1181 = tpu.memref_slice %arg5[%dma_wait3A_1179, %dma_wait3A_1180] : memref<10240x128xf32, #tpu.memory_space<vmem_shared>> -> memref<128x128xf32, #tpu.memory_space<vmem_shared>>
      %dma_wait3A_1182 = arith.constant 0 : i32
      %dma_wait3A_1183 = arith.constant 0 : i32
      %dma_wait3A_1184 = tpu.memref_slice %arg5[%dma_wait3A_1182, %dma_wait3A_1183] : memref<10240x128xf32, #tpu.memory_space<vmem_shared>> -> memref<128x128xf32, #tpu.memory_space<vmem_shared>>
      %dma_wait3A_1185 = arith.constant 0 : i32
      %dma_wait3A_1186 = arith.constant 0 : i32
      %dma_wait3A_1187 = tpu.memref_slice %arg7[%dma_wait3A_1174, %dma_wait3A_1185, %dma_wait3A_1186] : memref<2x128x128xf32, #tpu.memory_space<vmem>> -> memref<1x128x128xf32, #tpu.memory_space<vmem>>
      %dma_wait3A_1188 = tpu.memref_squeeze %dma_wait3A_1187 : memref<1x128x128xf32, #tpu.memory_space<vmem>> -> memref<128x128xf32, #tpu.memory_space<vmem>>
      tpu.wait_dma2 semaphore(%arg11 : memref<!tpu.dma_semaphore, #tpu.memory_space<semaphore_mem>>) src(%dma_wait3A_1188 : memref<128x128xf32, #tpu.memory_space<vmem>>) dst(%dma_wait3A_1184 : memref<128x128xf32, #tpu.memory_space<vmem_shared>>)
      %convert_element_type3A_1189 = arith.extui %lt3A_259 : i1 to i32
      %cond3A_1190 = arith.constant 0 : i32
      %cond3A_1191 = arith.cmpi ne, %convert_element_type3A_1189, %cond3A_1190 : i32
      scf.if %cond3A_1191 {
        %dma_start3A_1196 = arith.constant 0 : i32
        %dma_start3A_1197 = arith.constant 0 : i32
        %dma_start3A_1198 = arith.constant 1 : i32
        %dma_start3A_1199 = arith.constant 1 : i32
        %dma_start3A_1200 = arith.constant 0 : i32
        %dma_start3A_1201 = arith.constant 0 : i32
        %dma_start3A_1202 = tpu.memref_slice %arg7[%dma_start3A_1199, %dma_start3A_1200, %dma_start3A_1201] : memref<2x128x128xf32, #tpu.memory_space<vmem>> -> memref<1x128x128xf32, #tpu.memory_space<vmem>>
        %dma_start3A_1203 = tpu.memref_squeeze %dma_start3A_1202 : memref<1x128x128xf32, #tpu.memory_space<vmem>> -> memref<128x128xf32, #tpu.memory_space<vmem>>
        %dma_start3A_1204 = arith.constant 0 : i32
        %dma_start3A_1205 = tpu.memref_slice %arg6[%dma_start3A_1196, %dma_start3A_1197, %dma_start3A_1198, %dma_start3A_1204] : memref<2x2x8x128xi32, #tpu.memory_space<vmem>> -> memref<1x1x1x128xi32, #tpu.memory_space<vmem>>
        %dma_start3A_1206 = tpu.memref_squeeze %dma_start3A_1205 : memref<1x1x1x128xi32, #tpu.memory_space<vmem>> -> memref<128xi32, #tpu.memory_space<vmem>>
        %dma_start3A_1207 = arith.constant 0 : i32
        %dma_start3A_1208 = arith.constant 0 : i32
        %dma_start3A_1209 = tpu.memref_slice %arg2[%dma_start3A_1207, %dma_start3A_1208] : memref<10000x128xf32, #tpu.memory_space<hbm>> -> memref<10000x128xf32, #tpu.memory_space<hbm>>
        tpu.enqueue_indirect_dma source(%dma_start3A_1209 : memref<10000x128xf32, #tpu.memory_space<hbm>>) target(%dma_start3A_1203 : memref<128x128xf32, #tpu.memory_space<vmem>>) offsets(%dma_start3A_1206 : memref<128xi32, #tpu.memory_space<vmem>>) semaphore(%arg9 : memref<!tpu.dma_semaphore, #tpu.memory_space<semaphore_mem>>)
      } else {
      }
      %convert_element_type3A_1192 = arith.extui %lt3A_259 : i1 to i32
      %cond3A_1193 = arith.constant 0 : i32
      %cond3A_1194 = arith.cmpi ne, %convert_element_type3A_1192, %cond3A_1193 : i32
      scf.if %cond3A_1194 {
        %mul3A_1196 = arith.constant 2 : i32
        %mul3A_1197 = arith.muli %mul3A_1196, %scan3A_257 : i32
        %add3A_1198 = arith.constant 3 : i32
        %add3A_1199 = arith.addi %mul3A_1197, %add3A_1198 : i32
        %add3A_1200 = arith.addi %mul3A_2, %add3A_1199 : i32
        %dma_start3A_1201 = arith.constant 1 : i32
        %dma_start3A_1202 = arith.constant 0 : i32
        %dma_start3A_1203 = arith.constant 0 : i32
        %dma_start3A_1204 = arith.constant 0 : i32
        %dma_start3A_1205 = tpu.memref_slice %arg6[%dma_start3A_1201, %dma_start3A_1202, %dma_start3A_1203, %dma_start3A_1204] : memref<2x2x8x128xi32, #tpu.memory_space<vmem>> -> memref<1x2x8x128xi32, #tpu.memory_space<vmem>>
        %dma_start3A_1206 = tpu.memref_squeeze %dma_start3A_1205 : memref<1x2x8x128xi32, #tpu.memory_space<vmem>> -> memref<2x8x128xi32, #tpu.memory_space<vmem>>
        %dma_start3A_1207 = arith.constant 0 : i32
        %dma_start3A_1208 = arith.constant 0 : i32
        %dma_start3A_1209 = arith.constant 0 : i32
        %dma_start3A_1210 = tpu.memref_slice %arg3[%add3A_1200, %dma_start3A_1207, %dma_start3A_1208, %dma_start3A_1209] : memref<320x2x8x128xi32, #tpu.memory_space<hbm>> -> memref<1x2x8x128xi32, #tpu.memory_space<hbm>>
        %dma_start3A_1211 = tpu.memref_squeeze %dma_start3A_1210 : memref<1x2x8x128xi32, #tpu.memory_space<hbm>> -> memref<2x8x128xi32, #tpu.memory_space<hbm>>
        %dma_start3A_1212 = arith.constant 0 : i32
        %dma_start3A_1213 = arith.constant 0 : i32
        %dma_start3A_1214 = arith.constant 0 : i32
        %dma_start3A_1215 = tpu.memref_slice %arg6[%dma_start3A_1201, %dma_start3A_1212, %dma_start3A_1213, %dma_start3A_1214] : memref<2x2x8x128xi32, #tpu.memory_space<vmem>> -> memref<1x2x8x128xi32, #tpu.memory_space<vmem>>
        %dma_start3A_1216 = tpu.memref_squeeze %dma_start3A_1215 : memref<1x2x8x128xi32, #tpu.memory_space<vmem>> -> memref<2x8x128xi32, #tpu.memory_space<vmem>>
        %dma_start3A_1217 = arith.constant 0 : i32
        %dma_start3A_1218 = arith.constant 0 : i32
        %dma_start3A_1219 = arith.constant 0 : i32
        %dma_start3A_1220 = tpu.memref_slice %arg3[%add3A_1200, %dma_start3A_1217, %dma_start3A_1218, %dma_start3A_1219] : memref<320x2x8x128xi32, #tpu.memory_space<hbm>> -> memref<1x2x8x128xi32, #tpu.memory_space<hbm>>
        %dma_start3A_1221 = tpu.memref_squeeze %dma_start3A_1220 : memref<1x2x8x128xi32, #tpu.memory_space<hbm>> -> memref<2x8x128xi32, #tpu.memory_space<hbm>>
        tpu.enqueue_dma source(%dma_start3A_1221 : memref<2x8x128xi32, #tpu.memory_space<hbm>>) target(%dma_start3A_1216 : memref<2x8x128xi32, #tpu.memory_space<vmem>>) target_semaphore(%arg13 : memref<!tpu.dma_semaphore, #tpu.memory_space<semaphore_mem>>)
      } else {
      }
      %scan3A_1195 = arith.constant 0 : i32
      scf.yield %scan3A_1195 : i32
    }
    %scan3A_253 = arith.constant 5 : i32
    %barrier3A_254 = arith.constant 0 : index
    tpu.barrier barrier_id(%barrier3A_254)
    %mul3A_255 = arith.constant 640 : i32
    %mul3A_256 = arith.muli %arg1, %mul3A_255 : i32
    "tpu.region"() ({
      %run_scoped3A = tpu.sem_alloc : memref<!tpu.dma_semaphore, #tpu.memory_space<semaphore_mem>>
      %dma_start3A_257 = arith.constant 0 : i32
      %dma_start3A_258 = tpu.memref_slice %arg4[%arg0, %mul3A_256, %dma_start3A_257] : memref<2x10240x128xf32, #tpu.memory_space<hbm>> -> memref<1x640x128xf32, #tpu.memory_space<hbm>>
      %dma_start3A_259 = tpu.memref_squeeze %dma_start3A_258 : memref<1x640x128xf32, #tpu.memory_space<hbm>> -> memref<640x128xf32, #tpu.memory_space<hbm>>
      %dma_start3A_260 = arith.constant 0 : i32
      %dma_start3A_261 = tpu.memref_slice %arg5[%mul3A_256, %dma_start3A_260] : memref<10240x128xf32, #tpu.memory_space<vmem_shared>> -> memref<640x128xf32, #tpu.memory_space<vmem_shared>>
      tpu.enqueue_dma source(%dma_start3A_261 : memref<640x128xf32, #tpu.memory_space<vmem_shared>>) target(%dma_start3A_259 : memref<640x128xf32, #tpu.memory_space<hbm>>) target_semaphore(%run_scoped3A : memref<!tpu.dma_semaphore, #tpu.memory_space<semaphore_mem>>)
      %dma_wait3A_262 = arith.constant 0 : i32
      %dma_wait3A_263 = tpu.memref_slice %arg4[%arg0, %mul3A_256, %dma_wait3A_262] : memref<2x10240x128xf32, #tpu.memory_space<hbm>> -> memref<1x640x128xf32, #tpu.memory_space<hbm>>
      %dma_wait3A_264 = tpu.memref_squeeze %dma_wait3A_263 : memref<1x640x128xf32, #tpu.memory_space<hbm>> -> memref<640x128xf32, #tpu.memory_space<hbm>>
      %dma_wait3A_265 = arith.constant 0 : i32
      %dma_wait3A_266 = tpu.memref_slice %arg5[%mul3A_256, %dma_wait3A_265] : memref<10240x128xf32, #tpu.memory_space<vmem_shared>> -> memref<640x128xf32, #tpu.memory_space<vmem_shared>>
      tpu.wait_dma2 semaphore(%run_scoped3A : memref<!tpu.dma_semaphore, #tpu.memory_space<semaphore_mem>>) src(%dma_wait3A_266 : memref<640x128xf32, #tpu.memory_space<vmem_shared>>) dst(%dma_wait3A_264 : memref<640x128xf32, #tpu.memory_space<hbm>>)
      tpu.yield
    }) : () -> ()
    return
  }
}

module attributes {stable_mosaic.version = 14 : i64} {
  func.func @_mm_body(%arg0: i32, %arg1: memref<2000x128xf32, #tpu.memory_space<vmem>>, %arg2: memref<128x128xf32, #tpu.memory_space<vmem>>, %arg3: memref<2000x128xf32, #tpu.memory_space<vmem>>) attributes {dimension_semantics = [#tpu.dimension_semantics<arbitrary>], iteration_bounds = array<i64: 5>, scalar_prefetch = 0 : i64, scratch_operands = 0 : i64, tpu.core_type = #tpu.core_type<tc>, window_params = [{transform_indices = @transform_0, window_bounds = array<i64: 2000, 128>}, {pipeline_mode = #tpu.pipeline_mode<synchronous>, transform_indices = @transform_1, window_bounds = array<i64: 128, 128>}, {transform_indices = @transform_2, window_bounds = array<i64: 2000, 128>}]} {
    %get3A = arith.constant 0 : index
    %get3A_0 = arith.constant 0 : index
    %get3A_1 = vector.load %arg1[%get3A, %get3A_0] : memref<2000x128xf32, #tpu.memory_space<vmem>>, vector<2000x128xf32>
    %get3A_2 = arith.constant 0 : index
    %get3A_3 = arith.constant 0 : index
    %get3A_4 = vector.load %arg2[%get3A_2, %get3A_3] : memref<128x128xf32, #tpu.memory_space<vmem>>, vector<128x128xf32>
    %dot_general3A = arith.constant dense<0.000000e+00> : vector<2000x128xf32>
    %dot_general3A_5 = tpu.matmul %get3A_1, %get3A_4, %dot_general3A {dimension_numbers = #tpu.dot_dimension_numbers<[1], [0], [0], [1], [0, 0, 1, 1], [], []>, transpose_lhs_hint = false} : vector<2000x128xf32>, vector<128x128xf32>, vector<2000x128xf32> -> vector<2000x128xf32>
    %swap3A = arith.constant 0 : index
    %swap3A_6 = arith.constant 0 : index
    %swap3A_7 = vector.load %arg3[%swap3A, %swap3A_6] : memref<2000x128xf32, #tpu.memory_space<vmem>>, vector<2000x128xf32>
    tpu.vector_store %arg3[%swap3A, %swap3A_6], %dot_general3A_5 {strides = array<i32>} : memref<2000x128xf32, #tpu.memory_space<vmem>>, vector<2000x128xf32>,
    return
  }
  func.func @transform_0(%arg0: i32) -> (i32, i32) {
    %c0_i32 = arith.constant 0 : i32
    %c0_i32_0 = arith.constant 0 : i32
    return %arg0, %c0_i32 : i32, i32
  }
  func.func @transform_1(%arg0: i32) -> (i32, i32) {
    %c0_i32 = arith.constant 0 : i32
    %c0_i32_0 = arith.constant 0 : i32
    %c0_i32_1 = arith.constant 0 : i32
    return %c0_i32, %c0_i32_0 : i32, i32
  }
  func.func @transform_2(%arg0: i32) -> (i32, i32) {
    %c0_i32 = arith.constant 0 : i32
    %c0_i32_0 = arith.constant 0 : i32
    return %arg0, %c0_i32 : i32, i32
  }
}

module attributes {stable_mosaic.version = 14 : i64} {
  func.func @_add_body(%arg0: i32, %arg1: memref<2x2000x128xf32, #tpu.memory_space<vmem>>, %arg2: memref<2000x128xf32, #tpu.memory_space<vmem>>) attributes {dimension_semantics = [#tpu.dimension_semantics<arbitrary>], iteration_bounds = array<i64: 5>, scalar_prefetch = 0 : i64, scratch_operands = 0 : i64, tpu.core_type = #tpu.core_type<tc>, window_params = [{transform_indices = @transform_0, window_bounds = array<i64: 2, 2000, 128>}, {transform_indices = @transform_1, window_bounds = array<i64: 2000, 128>}]} {
    %get3A = arith.constant 0 : index
    %get3A_0 = arith.constant 0 : index
    %get3A_1 = arith.constant 0 : index
    %get3A_2 = vector.load %arg1[%get3A, %get3A_0, %get3A_1] : memref<2x2000x128xf32, #tpu.memory_space<vmem>>, vector<1x2000x128xf32>
    %get3A_3 = vector.shape_cast %get3A_2 : vector<1x2000x128xf32> to vector<2000x128xf32>
    %get3A_4 = arith.constant 1 : index
    %get3A_5 = arith.constant 0 : index
    %get3A_6 = arith.constant 0 : index
    %get3A_7 = vector.load %arg1[%get3A_4, %get3A_5, %get3A_6] : memref<2x2000x128xf32, #tpu.memory_space<vmem>>, vector<1x2000x128xf32>
    %get3A_8 = vector.shape_cast %get3A_7 : vector<1x2000x128xf32> to vector<2000x128xf32>
    %add3A = arith.addf %get3A_3, %get3A_8 : vector<2000x128xf32>
    %swap3A = arith.constant 0 : index
    %swap3A_9 = arith.constant 0 : index
    %swap3A_10 = vector.load %arg2[%swap3A, %swap3A_9] : memref<2000x128xf32, #tpu.memory_space<vmem>>, vector<2000x128xf32>
    tpu.vector_store %arg2[%swap3A, %swap3A_9], %add3A {strides = array<i32>} : memref<2000x128xf32, #tpu.memory_space<vmem>>, vector<2000x128xf32>,
    return
  }
  func.func @transform_0(%arg0: i32) -> (i32, i32, i32) {
    %c0_i32 = arith.constant 0 : i32
    %c0_i32_0 = arith.constant 0 : i32
    %c0_i32_1 = arith.constant 0 : i32
    return %c0_i32, %arg0, %c0_i32_0 : i32, i32, i32
  }
  func.func @transform_1(%arg0: i32) -> (i32, i32) {
    %c0_i32 = arith.constant 0 : i32
    %c0_i32_0 = arith.constant 0 : i32
    return %arg0, %c0_i32 : i32, i32
  }
}

module attributes {stable_mosaic.version = 14 : i64} {
  func.func @_pad_body(%arg0: memref<2x320000xi32, #tpu.memory_space<vmem>>, %arg1: memref<320x2x8x128xi32, #tpu.memory_space<vmem>>) attributes {dimension_semantics = [], scalar_prefetch = 0 : i64, scratch_operands = 0 : i64, tpu.core_type = #tpu.core_type<tc>} {
    %iota3A = tpu.iota {dimensions = array<i32: 0>} : vector<60x128xi32>
    %mul3A = arith.constant 128 : i32
    %mul3A_0 = vector.broadcast %mul3A : i32 to vector<60x128xi32>
    %mul3A_1 = arith.muli %iota3A, %mul3A_0 : vector<60x128xi32>
    %iota3A_2 = tpu.iota {dimensions = array<i32: 1>} : vector<60x128xi32>
    %add3A = arith.addi %mul3A_1, %iota3A_2 : vector<60x128xi32>
    %jit3A = arith.constant 10000 : i32
    %eq3A = arith.constant 0 : i32
    %eq3A_3 = arith.cmpi eq, %jit3A, %eq3A : i32
    %jit3A_4 = arith.constant 1 : i32
    %select_n3A = arith.select %eq3A_3, %jit3A_4, %jit3A : i32
    %rem3A = vector.broadcast %select_n3A : i32 to vector<60x128xi32>
    %rem3A_5 = arith.remsi %add3A, %rem3A : vector<60x128xi32>
    %ne3A = arith.constant 0 : i32
    %ne3A_6 = vector.broadcast %ne3A : i32 to vector<60x128xi32>
    %ne3A_7 = arith.cmpi ne, %rem3A_5, %ne3A_6 : vector<60x128xi32>
    %lt3A = arith.constant 0 : i32
    %lt3A_8 = vector.broadcast %lt3A : i32 to vector<60x128xi32>
    %lt3A_9 = arith.cmpi slt, %rem3A_5, %lt3A_8 : vector<60x128xi32>
    %lt3A_10 = arith.constant 0 : i32
    %lt3A_11 = arith.cmpi slt, %select_n3A, %lt3A_10 : i32
    %ne3A_12 = vector.broadcast %lt3A_11 : i1 to vector<60x128xi1>
    %ne3A_13 = vector.broadcast %ne3A_12 : vector<60x128xi1> to vector<60x128xi1>
    %ne3A_14 = arith.xori %lt3A_9, %ne3A_13 : vector<60x128xi1>
    %and3A = arith.andi %ne3A_14, %ne3A_7 : vector<60x128xi1>
    %add3A_15 = vector.broadcast %select_n3A : i32 to vector<60x128xi32>
    %add3A_16 = arith.addi %rem3A_5, %add3A_15 : vector<60x128xi32>
    %select_n3A_17 = arith.select %and3A, %add3A_16, %rem3A_5 : vector<60x128xi1>, vector<60x128xi32>
    %rem3A_18 = arith.constant 240 : i32
    %rem3A_19 = vector.broadcast %rem3A_18 : i32 to vector<60x128xi32>
    %rem3A_20 = arith.remsi %add3A, %rem3A_19 : vector<60x128xi32>
    %add3A_21 = arith.constant 10000 : i32
    %add3A_22 = vector.broadcast %add3A_21 : i32 to vector<60x128xi32>
    %add3A_23 = arith.addi %add3A_22, %rem3A_20 : vector<60x128xi32>
    %get3A = arith.constant 0 : index
    %get3A_24 = arith.constant 0 : index
    %get3A_25 = vector.load %arg0[%get3A, %get3A_24] : memref<2x320000xi32, #tpu.memory_space<vmem>>, vector<1x320000xi32>
    %get3A_26 = vector.shape_cast %get3A_25 : vector<1x320000xi32> to vector<320000xi32>
    %reshape3A = vector.shape_cast %get3A_26 : vector<320000xi32> to vector<2500x128xi32>
    %concatenate3A = tpu.concatenate %reshape3A, %select_n3A_17 in 0 : vector<2500x128xi32>, vector<60x128xi32> -> vector<2560x128xi32>
    %get3A_27 = arith.constant 1 : index
    %get3A_28 = arith.constant 0 : index
    %get3A_29 = vector.load %arg0[%get3A_27, %get3A_28] : memref<2x320000xi32, #tpu.memory_space<vmem>>, vector<1x320000xi32>
    %get3A_30 = vector.shape_cast %get3A_29 : vector<1x320000xi32> to vector<320000xi32>
    %reshape3A_31 = vector.shape_cast %get3A_30 : vector<320000xi32> to vector<2500x128xi32>
    %concatenate3A_32 = tpu.concatenate %reshape3A_31, %add3A_23 in 0 : vector<2500x128xi32>, vector<60x128xi32> -> vector<2560x128xi32>
    %reshape3A_33 = vector.shape_cast %concatenate3A : vector<2560x128xi32> to vector<320x8x128xi32>
    %swap3A = arith.constant 0 : index
    %swap3A_34 = arith.constant 0 : index
    %swap3A_35 = arith.constant 0 : index
    %swap3A_36 = arith.constant 0 : index
    %swap3A_37 = vector.load %arg1[%swap3A, %swap3A_34, %swap3A_35, %swap3A_36] : memref<320x2x8x128xi32, #tpu.memory_space<vmem>>, vector<320x1x8x128xi32>
    %swap3A_38 = vector.shape_cast %swap3A_37 : vector<320x1x8x128xi32> to vector<320x8x128xi32>
    %swap3A_39 = vector.shape_cast %reshape3A_33 : vector<320x8x128xi32> to vector<320x1x8x128xi32>
    tpu.vector_store %arg1[%swap3A, %swap3A_34, %swap3A_35, %swap3A_36], %swap3A_39 {strides = array<i32>} : memref<320x2x8x128xi32, #tpu.memory_space<vmem>>, vector<320x1x8x128xi32>,
    %reshape3A_40 = vector.shape_cast %concatenate3A_32 : vector<2560x128xi32> to vector<320x8x128xi32>
    %swap3A_41 = arith.constant 0 : index
    %swap3A_42 = arith.constant 1 : index
    %swap3A_43 = arith.constant 0 : index
    %swap3A_44 = arith.constant 0 : index
    %swap3A_45 = vector.load %arg1[%swap3A_41, %swap3A_42, %swap3A_43, %swap3A_44] : memref<320x2x8x128xi32, #tpu.memory_space<vmem>>, vector<320x1x8x128xi32>
    %swap3A_46 = vector.shape_cast %swap3A_45 : vector<320x1x8x128xi32> to vector<320x8x128xi32>
    %swap3A_47 = vector.shape_cast %reshape3A_40 : vector<320x8x128xi32> to vector<320x1x8x128xi32>
    tpu.vector_store %arg1[%swap3A_41, %swap3A_42, %swap3A_43, %swap3A_44], %swap3A_47 {strides = array<i32>} : memref<320x2x8x128xi32, #tpu.memory_space<vmem>>, vector<320x1x8x128xi32>,
    return
  }
}

</mosaic_0001>

<sc_bundles>
// kernel: kernel.6.cloned.1.call-start
scs
__scs_entry_jumppad:
0x0: {  	(pc) =	sbr.rel $0x88, $3  }
0x1: {  	(tag) =	ssettag $0x0;
	lr =	simm.s32 $0x1  }
0x2: {  	[smem:$0x3F9E] =	sst lr;
	_ =	strace $0xD0000000  }
0x3: {  	_ = 	snop  }
0x4: {  	_ = 	snop  }
0x5: {  	_ = 	snop  }
0x6: {  	_ = 	snop  }
0x7: {  	_ = 	snop  }
__scs_overlays_trampoline_lowered:
0x8: {  	[smem:$0x3FAD] =	sst s0  }
0x9: {  	[smem:$0x3FAE] =	sst s1  }
0xa: {  	[smem:$0x3FAF] =	sst s2  }
0xb: {  	[smem:$0x3FB0] =	sst s3  }
0xc: {  	[smem:$0x3FB1] =	sst s4  }
0xd: {  	[smem:$0x3FB2] =	sst s5  }
0xe: {  	[smem:$0x3FB3] =	sst s6  }
0xf: {  	[smem:$0x3FB4] =	sst s7  }
0x10: {  	[smem:$0x3FB5] =	sst s8  }
0x11: {  	[smem:$0x3FB6] =	sst s9;
	s0 =	simm.s32 @!p0 $0x0  }
0x12: {  	s1 =	sld [smem:$0x3F9C];
	s0 =	simm.s32 @p0 $0x1  }
0x13: {  	[smem:$0x3FB7] =	sst s0;
	s0 =	simm.s32 @!p1 $0x0  }
0x14: {  	s2 =	sld [smem:$0x3F9B];
	s0 =	simm.s32 @p1 $0x1  }
0x15: {  	[smem:$0x3FB8] =	sst s0;
	s0 =	simm.s32 @!p2 $0x0  }
0x16: {  	s3 =	sld [smem:$0x3FDB];
	s0 =	simm.s32 @p2 $0x1  }
0x17: {  	s4 =	simm.s32 $0x1BF5;
	[smem:$0x3FBA] =	sst s0  }
0x18: {  	s0 =	sld [smem:$0x3F9D];
	_ =	swait.ge [sflag:s4], $0x0  }
0x19: {  	s7 =	sld [smem:$0x3F9E]  }
0x1a: {  	s8 =	sadd.s32 $0xFFFFE003, lr  }
0x1b: {  	s9 =	sadd.s32 $0xFFFFFEF7, lr;
	s5 =	simm.s32 $0xFFFFFFFF;
	p2 =	slt.u32 s8, $0xFFFFF086  }
0x1c: {  	p1 =	slt.u32 s9, $0xF7A;
	s5 =	simm.s32 @!p2 $0x0  }
0x1d: {  	s5 =	simm.s32 @p1 $0x1;
	p0 =	seq.s32 s7, s2  }
0x1e: {  	s7 =	smul.u32 @!p0 $0xF7A, s2;
	p2 =	seq.s32 @!p0 s5, $0x0  }
0x1f: {  	s9 =	smul.u32 $0xF7A, s1;
	s8 =	simm.s32 @!p0 $0x1BF5;
	p2 =	por !p2, p0  }
0x20: {  	[sflag:s8] =	ssyncset.s32 @!p0 $0xFFFFF086;
	s6 =	sadd.s32 @!p0 s3, s7;
	s7 =	simm.s32 @!p0 $0x108  }
0x21: {  	s3 =	sadd.s32 s3, s9;
	s6 =	sadd.s32 @!p0 $0x88, s6;
	s7 =	simm.s32 @p2 $0x1082  }
0x22: {  	[simem:s7], [sflag:s8] =	dma.local @!p0 [hbm:s6], $0xF7A  }
0x23: {  	s9 =	sor.u32 $0xD0000000, s2;
	s6 =	simm.s32 $0x108;
	_ =	swait.ge @!p0 [sflag:s8], $0x0  }
0x24: {  	s3 =	sadd.s32 $0x88, s3;
	s6 =	simm.s32 @!p1 $0x1082;
	[sflag:s4] =	ssyncset.s32 $0xFFFFF086  }
0x25: {  	[simem:s6], [sflag:s4] =	dma.local [hbm:s3], $0xF7A  }
0x26: {  	[smem:$0x3F9E] =	sst s1;
	(tag) =	ssettag s2;
	_ =	strace s9  }
0x27: {  	s1 =	sld [smem:$0x3FAE]  }
0x28: {  	s2 =	sld [smem:$0x3FAF]  }
0x29: {  	s4 =	sld [smem:$0x3FB1]  }
0x2a: {  	p0 =	seq.s32 s5, $0x0;
	s5 =	sld [smem:$0x3FB2]  }
0x2b: {  	s6 =	sld [smem:$0x3FB3]  }
0x2c: {  	s7 =	sld [smem:$0x3FB4]  }
0x2d: {  	s3 =	simm.s32 $0x108;
	s8 =	sld [smem:$0x3FB5]  }
0x2e: {  	s3 =	simm.s32 @!p0 $0x1082;
	s9 =	sld [smem:$0x3FB6]  }
0x2f: {  	lr =	sadd.s32 s0, s3;
	s0 =	sld [smem:$0x3FAD]  }
0x30: {  	s3 =	sld [smem:$0x3FB0]  }
0x31: {  	[smem:$0x3FB9] =	sst s10  }
0x32: {  	s10 =	sld [smem:$0x3FB7];
	_ =	sdelay $0x3  }
0x33: {  	p0 =	seq.s32 s10, $0x1;
	s10 =	sld [smem:$0x3FB9];
	_ =	sdelay $0x3  }
0x34: {  	[smem:$0x3FB9] =	sst s10  }
0x35: {  	s10 =	sld [smem:$0x3FB8];
	_ =	sdelay $0x3  }
0x36: {  	p1 =	seq.s32 s10, $0x1;
	s10 =	sld [smem:$0x3FB9];
	_ =	sdelay $0x3  }
0x37: {  	[smem:$0x3FB9] =	sst s10  }
0x38: {  	s10 =	sld [smem:$0x3FBA]  }
0x39: {  	_ = 	snop;
	(pc) =	sbr.ind lr, $3  }
0x3a: {  	_ = 	snop  }
0x3b: {  	_ = 	snop  }
0x3c: {  	p2 =	seq.s32 s10, $0x1;
	s10 =	sld [smem:$0x3FB9]  }
0x3d: {  	_ =	shalt  }
0x3e: {  	_ =	shalt  }
0x3f: {  	_ =	shalt  }
0x40: {  	_ =	shalt  }
0x41: {  	_ =	shalt  }
0x42: {  	_ =	shalt  }
0x43: {  	_ =	shalt  }
0x44: {  	_ =	shalt  }
0x45: {  	_ =	shalt  }
0x46: {  	_ =	shalt  }
0x47: {  	_ =	shalt  }
0x48: {  	_ =	shalt  }
0x49: {  	_ =	shalt  }
0x4a: {  	_ =	shalt  }
0x4b: {  	_ =	shalt  }
0x4c: {  	_ =	shalt  }
0x4d: {  	_ =	shalt  }
0x4e: {  	_ =	shalt  }
0x4f: {  	_ =	shalt  }
0x50: {  	_ =	shalt  }
0x51: {  	_ =	shalt  }
0x52: {  	_ =	shalt  }
0x53: {  	_ =	shalt  }
0x54: {  	_ =	shalt  }
0x55: {  	_ =	shalt  }
0x56: {  	_ =	shalt  }
0x57: {  	_ =	shalt  }
0x58: {  	_ =	shalt  }
0x59: {  	_ =	shalt  }
0x5a: {  	_ =	shalt  }
0x5b: {  	_ =	shalt  }
0x5c: {  	_ =	shalt  }
0x5d: {  	_ =	shalt  }
0x5e: {  	_ =	shalt  }
0x5f: {  	_ =	shalt  }
0x60: {  	_ =	shalt  }
0x61: {  	_ =	shalt  }
0x62: {  	_ =	shalt  }
0x63: {  	_ =	shalt  }
0x64: {  	_ =	shalt  }
0x65: {  	_ =	shalt  }
0x66: {  	_ =	shalt  }
0x67: {  	_ =	shalt  }
0x68: {  	_ =	shalt  }
0x69: {  	_ =	shalt  }
0x6a: {  	_ =	shalt  }
0x6b: {  	_ =	shalt  }
0x6c: {  	_ =	shalt  }
0x6d: {  	_ =	shalt  }
0x6e: {  	_ =	shalt  }
0x6f: {  	_ =	shalt  }
0x70: {  	_ =	shalt  }
0x71: {  	_ =	shalt  }
0x72: {  	_ =	shalt  }
0x73: {  	_ =	shalt  }
0x74: {  	_ =	shalt  }
0x75: {  	_ =	shalt  }
0x76: {  	_ =	shalt  }
0x77: {  	_ =	shalt  }
0x78: {  	_ =	shalt  }
0x79: {  	_ =	shalt  }
0x7a: {  	_ =	shalt  }
0x7b: {  	_ =	shalt  }
0x7c: {  	_ =	shalt  }
0x7d: {  	_ =	shalt  }
0x7e: {  	_ =	shalt  }
0x7f: {  	_ =	shalt  }
0x80: {  	_ =	shalt  }
0x81: {  	_ =	shalt  }
0x82: {  	_ =	shalt  }
0x83: {  	_ =	shalt  }
0x84: {  	_ =	shalt  }
0x85: {  	_ =	shalt  }
0x86: {  	_ =	shalt  }
0x87: {  	_ =	shalt  }
.Lfunc_end0:
.L_simem_size_0:
called_computation_lowered:
.L_overlay_start_0:
0x88: {  	s2 =	sld [smem:$0x3FD9]  }
0x89: {  	s3 =	sld [smem:$0x3FFE];
	_ =	sdelay $0x1  }
0x8a: {  	s1 =	srdreg.scid  }
0x8b: {  	s0 =	sand.u32 $0x1, s1  }
0x8c: {  	s17 =	sshll.u32 s0, $0xA;
	s2 =	sadd.s32 s3, s2  }
0x8d: {  	s2 =	sadd.s32 s2, s17  }
0x8e: {  	[smem:$0x3FC5] =	sst s2  }
0x8f: {  	_ = 	snop  }
0x90: {  	s2 =	sld [smem:$0x3FD0];
	(tm) =	ssettm $0x1  }
0x91: {  	s18 =	sld [smem:$0x3FFB];
	_ =	sdelay $0x3  }
0x92: {  	_ =	strace s18  }
0x93: {  	s3 =	sld [smem:$0x3FFC];
	_ =	sdelay $0x3  }
0x94: {  	_ =	strace s3  }
0x95: {  	s3 =	sld [smem:$0x3FFD];
	_ =	sdelay $0x3  }
0x96: {  	_ =	strace s3  }
0x97: {  	_ =	strace $0x8FFFFFFF  }
0x98: {  	s19 =	sld [smem:$0x3FDB];
	_ =	sdelay $0x1  }
0x99: {  	s4 =	simm.s32 $_scs_section_size  }
0x9a: {  	s5 =	simm.s32 $_size__tile_overlayer_lowered;
	s6 =	simm.s32 $_tile_overlayer_lowered  }
0x9b: {  	s22 =	simm.s32 $0x1BFF;
	s21 =	sshll.u32 s6, $0x1;
	s3 =	sadd.s32 s4, s19  }
0x9c: {  	s7 =	simm.s32 $0x0;
	s20 =	sshll.u32 s5, $0x1;
	s5 =	sadd.s32 s21, s3  }
0x9d: {  	[timem:s7], [sflag:s22] =	dma.local [hbm:s5], s20  }
0x9e: {  	_ =	swait.ge [sflag:s22], s20  }
0x9f: {  	s4 =	ssub.s32 $0x0, s20;
	[sflag:s22] =	ssyncset.done $0x0  }
0xa0: {  	[sflag:s22] =	ssyncadd.s32 s4;
	_ =	sdelay $0x1  }
0xa1: {  	s23 =	simm.s32 $0x1B8B  }
0xa2: {  	_ =	swait.ge [sflag:s23], $0x1  }
0xa3: {  	[sflag:s23] =	ssyncset.done $0x0  }
0xa4: {  	s25 =	simm.s32 $0x1B8E;
	s24 =	sld [smem:$0x3FFE];
	[sflag:s23] =	ssyncadd.s32 $0xFFFFFFFF  }
0xa5: {  	s26 =	simm.s32 $execute0_lowered;
	[smem:$0x3FD2] =	sst s25  }
0xa6: {  	s5 =	sshll.u32 s26, $0x1;
	_ =	strace $0x80000046;
	[dreg:$0x1] =	wrdreg $0xFFFFFFFF  }
0xa7: {  	s28 =	simm.s32 $_size_execute0_lowered;
	s3 =	sadd.s32 s3, s5;
	[dreg:$0x0] =	wrdreg $0x0  }
0xa8: {  	s5 =	sshll.u32 s28, $0x1;
	[dreg:$0x2] =	wrdreg s3  }
0xa9: {  	[dreg:$0x3] =	wrdreg s5  }
0xaa: {  	[dreg:$0x4] =	wrdreg $0xC0  }
0xab: {  	_ =	task [dreg:s7], $0x5FFFF  }
0xac: {  	[dreg:$0x1] =	wrdreg $0xFFFFFFFF  }
0xad: {  	[dreg:$0x0] =	wrdreg $0x60  }
0xae: {  	[dreg:$0x2] =	wrdreg s2  }
0xaf: {  	[dreg:$0x3] =	wrdreg s24  }
0xb0: {  	[dreg:$0x4] =	wrdreg $0x0  }
0xb1: {  	[dreg:$0x5] =	wrdreg $0x9  }
0xb2: {  	_ =	task.clear_ibuf [dreg:s7], $0x6FFFF;
	_ =	strace $0x90000046  }
0xb3: {  	s29 =	simm.s32 $0x9;
	_ =	strace $0x80000048  }
0xb4: {  	_ =	swait.ge [sflag:s29], $0x1  }
0xb5: {  	[sflag:s29] =	ssyncadd.s32 $0xFFFFFFFF  }
0xb6: {  	_ =	strace $0x90000048  }
0xb7: {  	_ =	sfence  }
0xb8: {  	s30 =	sld [smem:$0x0];
	_ =	sdelay $0x2  }
0xb9: {  	s31 =	sshll.u32 s1, $0xD;
	s1 =	sshrl.u32 s1, $0x2  }
0xba: {  	s3 =	sand.u32 $0x4000, s31;
	s1 =	sadd.s32 s1, s30  }
0xbb: {  	s0 =	sor.u32 s3, s0;
	s1 =	sshll.u32 s1, $0x11  }
0xbc: {  	s0 =	sor.u32 s1, s0  }
0xbd: {  	s0 =	sadd.s32 $0x8F2B, s0  }
0xbe: {  	[sflag:s0] =	ssyncadd.remote.s32 $0x1  }
0xbf: {  	_ =	sfence.sel $0xFFFF  }
0xc0: {  	[dreg:$0x0] =	wrdreg $0xFFFFFFFF;
	(pc) =	sbr.abs _section_cstart, $3  }
0xc1: {  	[dreg:$0x1] =	wrdreg $0xFFFFFFFF  }
0xc2: {  	_ =	task.clear_ibuf [dreg:s7], $0x2FFFF;
	_ =	strace $0x9FFFFFFF  }
0xc3: {  	(tm) =	ssettm $0x7FFFFFFF  }
tec
execute0_lowered:
.L_overlay_start_1:
0x0: {  	(tag) =	ssettag $0x1  }
0x1: {  	s1 =	rddreg [dreg:$0x0]  }
0x2: {  	s0 =	rddreg [dreg:$0x1]  }
0x3: {  	s2 =	rddreg [dreg:$0x2];
	s3 =	srdreg.scid  }
0x4: {  	s5 =	simm.s32 $0x0;
	s9 =	stileid.u32;
	s16 =	simm.s32 $0x14800  }
0x5: {  	s29 =	simm.s32 $0x4;
	s15 =	simm.s32 $0x14980;
	s28 =	simm.s32 $0x14A00  }
0x6: {  	s30 =	simm.s32 $0x14D80;
	s31 =	simm.s32 $0x14A80;
	s17 =	smul.u32 $0x14000, s9  }
0x7: {  	s10 =	simm.s32 $0x14F80;
	s11 =	simm.s32 $0x0;
	s19 =	smul.u32 $0x50000, s9  }
0x8: {  	s3 =	sand.u32 $0x1, s3;
	[smem:$0x7FF] =	sst s5;
	s24 =	smul.u32 $0xA00, s9  }
0x9: {  	s6 =	sadd.s32 $0x1000, s0;
	s4 =	smul.u32 $0x140000, s3;
	_ =	strace $0x80000047  }
0xa: {  	s7 =	sshll.u32 s3, $0x4;
	s8 =	ssub.s32 $0x2, s3;
	s3 =	smul.u32 $0xA000, s3  }
0xb: {  	s18 =	sor.u32 s9, s7;
	s20 =	sshrl.u32 s8, $0x1;
	s7 =	sshrl.u32 s19, $0x2  }
0xc: {  	s19 =	simm.s32 $0x2;
	s9 =	simm.s32 $0x14F00;
	s4 =	sadd.s32 s17, s4  }
0xd: {  	s5 =	smul.u32 $0xA00, s18;
	s13 =	sadd.s32 s7, s2;
	s25 =	sadd.s32 s3, s6  }
0xe: {  	s17 =	simm.s32 $0x15000;
	s18 =	simm.s32 $0x1;
	s3 =	simm.s32 $0x14B00  }
0xf: {  	s4 =	sshrl.u32 s4, $0x3;
	s21 =	sadd.s32 $0x4000, s13;
	s22 =	sadd.s32 $0x8000, s13  }
0x10: {  	s23 =	sadd.s32 $0xC000, s13;
	s7 =	sadd.s32 $0x10000, s13;
	[dreg:$0x5] =	wrdreg s13  }
0x11: {  	s14 =	sadd.s32 s24, s25;
	s25 =	simm.s32 $0x3;
	[dreg:$0x7] =	wrdreg s21  }
0x12: {  	s24 =	simm.s32 $0x14C80;
	s0 =	sadd.s32 s4, s0;
	[dreg:$0x8] =	wrdreg s22  }
0x13: {  	s4 =	ssub.s32 s8, s20;
	s5 =	sadd.s32 s6, s5;
	[dreg:$0x9] =	wrdreg s23  }
0x14: {  	[dreg:$0xa] =	wrdreg s7;
	s20 =	simm.s32 $0x5;
	s21 =	simm.s32 $0x80  }
.Ltmp0:
0x15: {  	[dreg:$0x4] =	wrdreg s5;
	s5 =	sadd.s32 $0x100, s5;
	(pc) =	sbr.rel .LBB2_1-.Ltmp0, $4  }
0x16: {  	s23 =	simm.s32 $0x19000;
	s0 =	sadd.s32 $0x15000, s0;
	[dreg:$0x6] =	wrdreg s5  }
0x17: {  	s22 =	simm.s32 $0x14900;
	s26 =	smax.u32 s4, $0x1;
	[dreg:$0xb] =	wrdreg s0  }
0x18: {  	s7 =	simm.s32 $0x14E80;
	s8 =	simm.s32 $0x14B80;
	[dreg:$0xc] =	wrdreg s26  }
0x19: {  	v0 =	vimm.f32 $0.0e+00;
	s5 =	simm.s32 $0x6;
	s26 =	simm.s32 $0x14D00;
	s0 =	simm.s32 $0x14E00  }
.LBB2_6:
0x1a: {  	_ =	swait.ge [sflag:s19], $0x4000  }
0x1b: {  	[sflag:s19] =	ssyncset.done $0x0  }
0x1c: {  	[sflag:s19] =	ssyncadd.s32 $0xFFFFC000  }
0x1d: {  	[spmem:s2] =	stream.indirect.scatter.add.f32 [tilespmem:s23], [sflag:$0x4], $0x80, s10, s21, $0xb8;
	[tilespmem:$0x1D000] =	vst v63  }
0x1e: {  	_ =	swait.ge [sflag:s29], $0x4000  }
0x1f: {  	[sflag:s29] =	ssyncset.done $0x0  }
0x20: {  	[sflag:s29] =	ssyncadd.s32 $0xFFFFC000  }
0x21: {  	s6 =	stileid.u32;
	[bflag:$0x0] =	sbarrier.arrive $0xFFFF  }
0x22: {  	s6 =	sshll.u32 s6, $0x6;
	s13 =	rddreg [dreg:$0x5]  }
0x23: {  	s6 =	sor.u32 $0x1C07, s6;
	s4 =	rddreg [dreg:$0xb];
	s11 =	sshrl.u32 s13, $0x3  }
0x24: {  	[hbm:s4], [sflag:s6] =	dma.local [spmem:s11], $0x2800  }
0x25: {  	s6 =	simm.s32 $0x7  }
0x26: {  	_ =	swait.ge [sflag:s6], $0x2800  }
0x27: {  	s4 =	rddreg [dreg:$0xd]  }
0x28: {  	s12 =	rddreg [dreg:$0xc];
	s11 =	sadd.s32 $0x1, s4  }
0x29: {  	p0 =	sne.s32 s11, s12  }
.Ltmp1:
0x2a: {  	_ = 	snop;
	(pc) =	sbr.rel @!p0 .LBB2_7-.Ltmp1, $3  }
0x2b: {  	_ =	sdelay $0x1  }
0x2c: {  	[sflag:s6] =	ssyncset.done $0x0  }
0x2d: {  	[sflag:s6] =	ssyncadd.s32 $0xFFFFD800  }
.LBB2_1:
0x2e: {  	[dreg:$0xd] =	wrdreg s11  }
0x2f: {  	s6 =	simm.s32 $0x0;
	s4 =	rddreg [dreg:$0x4];
	s12 =	simm.s32 $0x14000  }
0x30: {  	[tilespmem:s12], [sflag:$0x5] =	stream.linear.gather [hbm4b:s4+s6], $0x800, $0x38;
	[tilespmem:$0x1D000] =	vst v63  }
0x31: {  	s12 =	rddreg [dreg:$0x6]  }
0x32: {  	[tilespmem:s16], [sflag:$0x6] =	stream.linear.gather [hbm4b:s12+s6], $0x800, $0x38;
	[tilespmem:$0x1D000] =	vst v63  }
0x33: {  	s11 =	simm.s32 $0x0;
	s4 =	simm.s32 $0x0;
	s12 =	simm.s32 $0x200  }
.LBB2_2:
0x34: {  	p0 =	sne.s32 s12, $0xFE00;
	[tilespmem:s11+$0x15070] =	vst v0  }
0x35: {  	[tilespmem:s11+$0x15000] =	vst v0  }
0x36: {  	[tilespmem:s11+$0x15010] =	vst v0  }
.Ltmp2:
0x37: {  	[tilespmem:s11+$0x15020] =	vst v0;
	(pc) =	sbr.rel @p0 .LBB2_2-.Ltmp2, $4  }
0x38: {  	[tilespmem:s11+$0x15030] =	vst v0  }
0x39: {  	[tilespmem:s11+$0x15040] =	vst v0  }
0x3a: {  	[tilespmem:s11+$0x15050] =	vst v0  }
0x3b: {  	[tilespmem:s11+$0x15060] =	vst v0;
	s11 =	sshra.s32 s12, $0x2;
	s12 =	sadd.s32 $0x200, s12  }
0x3c: {  	[tilespmem:s11+$0x15070] =	vst v0  }
0x3d: {  	[tilespmem:s11+$0x15000] =	vst v0  }
0x3e: {  	[tilespmem:s11+$0x15010] =	vst v0  }
0x3f: {  	[tilespmem:s11+$0x15020] =	vst v0  }
0x40: {  	[tilespmem:s11+$0x15030] =	vst v0  }
0x41: {  	[tilespmem:s11+$0x15040] =	vst v0  }
0x42: {  	[tilespmem:s11+$0x15050] =	vst v0  }
0x43: {  	[tilespmem:s11+$0x15060] =	vst v0  }
0x44: {  	[spmem:s13] =	stream.linear.scatter [tilespmem:s17], [sflag:$0x1], $0x4000, $0x38;
	[tilespmem:$0x1D000] =	vst v63  }
0x45: {  	s6 =	rddreg [dreg:$0x7]  }
0x46: {  	[spmem:s6] =	stream.linear.scatter [tilespmem:s17], [sflag:$0x2], $0x4000, $0x38;
	[tilespmem:$0x1D000] =	vst v63  }
0x47: {  	s12 =	rddreg [dreg:$0x8]  }
0x48: {  	[spmem:s12] =	stream.linear.scatter [tilespmem:s17], [sflag:$0x1], $0x4000, $0x38;
	[tilespmem:$0x1D000] =	vst v63  }
0x49: {  	s13 =	rddreg [dreg:$0x9]  }
0x4a: {  	[spmem:s13] =	stream.linear.scatter [tilespmem:s17], [sflag:$0x2], $0x4000, $0x38;
	[tilespmem:$0x1D000] =	vst v63  }
0x4b: {  	s11 =	rddreg [dreg:$0xa]  }
0x4c: {  	[spmem:s11] =	stream.linear.scatter [tilespmem:s17], [sflag:$0x1], $0x4000, $0x38;
	[tilespmem:$0x1D000] =	vst v63  }
0x4d: {  	_ =	swait.ge [sflag:s18], $0x4000  }
0x4e: {  	[sflag:s18] =	ssyncset.done $0x0  }
0x4f: {  	[sflag:s18] =	ssyncadd.s32 $0xFFFFC000  }
0x50: {  	_ =	swait.ge [sflag:s19], $0x4000  }
0x51: {  	[sflag:s19] =	ssyncset.done $0x0  }
0x52: {  	[sflag:s19] =	ssyncadd.s32 $0xFFFFC000  }
0x53: {  	_ =	swait.ge [sflag:s18], $0x4000  }
0x54: {  	[sflag:s18] =	ssyncset.done $0x0  }
0x55: {  	[sflag:s18] =	ssyncadd.s32 $0xFFFFC000  }
0x56: {  	_ =	swait.ge [sflag:s19], $0x4000  }
0x57: {  	[sflag:s19] =	ssyncset.done $0x0  }
0x58: {  	[sflag:s19] =	ssyncadd.s32 $0xFFFFC000  }
0x59: {  	_ =	swait.ge [sflag:s18], $0x4000  }
0x5a: {  	[sflag:s18] =	ssyncset.done $0x0  }
0x5b: {  	[sflag:s18] =	ssyncadd.s32 $0xFFFFC000  }
0x5c: {  	[bflag:$0x0] =	sbarrier.arrive $0xFFFF  }
0x5d: {  	_ =	swait.ge [sflag:s20], $0x800  }
0x5e: {  	[sflag:s20] =	ssyncset.done $0x0  }
0x5f: {  	s12 =	simm.s32 $0x14000;
	[sflag:s20] =	ssyncadd.s32 $0xFFFFF800  }
0x60: {  	[tilespmem:s17], [sflag:$0x1] =	stream.indirect.gather [hbm4b:s1+s21], $0x80, s12, s21, $0xb8;
	[tilespmem:$0x1D000] =	vst v63  }
0x61: {  	s13 =	simm.s32 $0x14080;
	s11 =	simm.s32 $0xFFFFF800  }
0x62: {  	[tilespmem:s23], [sflag:$0x2] =	stream.indirect.gather [hbm4b:s1+s21], $0x80, s13, s21, $0xb8;
	[tilespmem:$0x1D000] =	vst v63  }
.LBB2_4:
0x63: {  	_ =	swait.ge [sflag:s18], $0x4000  }
0x64: {  	[sflag:s18] =	ssyncset.done $0x0  }
0x65: {  	s6 =	simm.s32 $0x14400;
	[sflag:s18] =	ssyncadd.s32 $0xFFFFC000  }
0x66: {  	[spmem:s2] =	stream.indirect.scatter.add.f32 [tilespmem:s17], [sflag:$0x3], $0x80, s6, s21, $0xb8;
	[tilespmem:$0x1D000] =	vst v63  }
0x67: {  	_ =	swait.ge [sflag:s25], $0x4000  }
0x68: {  	[sflag:s25] =	ssyncset.done $0x0  }
0x69: {  	s13 =	simm.s32 $0x14100;
	[sflag:s25] =	ssyncadd.s32 $0xFFFFC000  }
0x6a: {  	[tilespmem:s17], [sflag:$0x1] =	stream.indirect.gather [hbm4b:s1+s21], $0x80, s13, s21, $0xb8;
	[tilespmem:$0x1D000] =	vst v63  }
0x6b: {  	_ =	swait.ge [sflag:s19], $0x4000  }
0x6c: {  	[sflag:s19] =	ssyncset.done $0x0  }
0x6d: {  	s12 =	simm.s32 $0x14480;
	[sflag:s19] =	ssyncadd.s32 $0xFFFFC000  }
0x6e: {  	[spmem:s2] =	stream.indirect.scatter.add.f32 [tilespmem:s23], [sflag:$0x4], $0x80, s12, s21, $0xb8;
	[tilespmem:$0x1D000] =	vst v63  }
0x6f: {  	_ =	swait.ge [sflag:s29], $0x4000  }
0x70: {  	[sflag:s29] =	ssyncset.done $0x0  }
0x71: {  	s13 =	simm.s32 $0x14180;
	[sflag:s29] =	ssyncadd.s32 $0xFFFFC000  }
0x72: {  	[tilespmem:s23], [sflag:$0x2] =	stream.indirect.gather [hbm4b:s1+s21], $0x80, s13, s21, $0xb8;
	[tilespmem:$0x1D000] =	vst v63  }
0x73: {  	_ =	swait.ge [sflag:s18], $0x4000  }
0x74: {  	[sflag:s18] =	ssyncset.done $0x0  }
0x75: {  	s12 =	simm.s32 $0x14500;
	[sflag:s18] =	ssyncadd.s32 $0xFFFFC000  }
0x76: {  	[spmem:s2] =	stream.indirect.scatter.add.f32 [tilespmem:s17], [sflag:$0x3], $0x80, s12, s21, $0xb8;
	[tilespmem:$0x1D000] =	vst v63  }
0x77: {  	_ =	swait.ge [sflag:s25], $0x4000  }
0x78: {  	[sflag:s25] =	ssyncset.done $0x0  }
0x79: {  	s13 =	simm.s32 $0x14200;
	[sflag:s25] =	ssyncadd.s32 $0xFFFFC000  }
0x7a: {  	[tilespmem:s17], [sflag:$0x1] =	stream.indirect.gather [hbm4b:s1+s21], $0x80, s13, s21, $0xb8;
	[tilespmem:$0x1D000] =	vst v63  }
0x7b: {  	_ =	swait.ge [sflag:s19], $0x4000  }
0x7c: {  	[sflag:s19] =	ssyncset.done $0x0  }
0x7d: {  	s12 =	simm.s32 $0x14580;
	[sflag:s19] =	ssyncadd.s32 $0xFFFFC000  }
0x7e: {  	[spmem:s2] =	stream.indirect.scatter.add.f32 [tilespmem:s23], [sflag:$0x4], $0x80, s12, s21, $0xb8;
	[tilespmem:$0x1D000] =	vst v63  }
0x7f: {  	_ =	swait.ge [sflag:s29], $0x4000  }
0x80: {  	[sflag:s29] =	ssyncset.done $0x0  }
0x81: {  	s13 =	simm.s32 $0x14280;
	[sflag:s29] =	ssyncadd.s32 $0xFFFFC000  }
0x82: {  	[tilespmem:s23], [sflag:$0x2] =	stream.indirect.gather [hbm4b:s1+s21], $0x80, s13, s21, $0xb8;
	[tilespmem:$0x1D000] =	vst v63  }
0x83: {  	_ =	swait.ge [sflag:s18], $0x4000  }
0x84: {  	[sflag:s18] =	ssyncset.done $0x0  }
0x85: {  	s12 =	simm.s32 $0x14600;
	[sflag:s18] =	ssyncadd.s32 $0xFFFFC000  }
0x86: {  	[spmem:s2] =	stream.indirect.scatter.add.f32 [tilespmem:s17], [sflag:$0x3], $0x80, s12, s21, $0xb8;
	[tilespmem:$0x1D000] =	vst v63  }
0x87: {  	_ =	swait.ge [sflag:s25], $0x4000  }
0x88: {  	[sflag:s25] =	ssyncset.done $0x0  }
0x89: {  	s13 =	simm.s32 $0x14300;
	[sflag:s25] =	ssyncadd.s32 $0xFFFFC000  }
0x8a: {  	[tilespmem:s17], [sflag:$0x1] =	stream.indirect.gather [hbm4b:s1+s21], $0x80, s13, s21, $0xb8;
	[tilespmem:$0x1D000] =	vst v63  }
0x8b: {  	_ =	swait.ge [sflag:s19], $0x4000  }
0x8c: {  	[sflag:s19] =	ssyncset.done $0x0  }
0x8d: {  	s12 =	simm.s32 $0x14680;
	[sflag:s19] =	ssyncadd.s32 $0xFFFFC000  }
0x8e: {  	[spmem:s2] =	stream.indirect.scatter.add.f32 [tilespmem:s23], [sflag:$0x4], $0x80, s12, s21, $0xb8;
	[tilespmem:$0x1D000] =	vst v63  }
0x8f: {  	_ =	swait.ge [sflag:s29], $0x4000  }
0x90: {  	[sflag:s29] =	ssyncset.done $0x0  }
0x91: {  	s13 =	simm.s32 $0x14380;
	[sflag:s29] =	ssyncadd.s32 $0xFFFFC000  }
0x92: {  	[tilespmem:s23], [sflag:$0x2] =	stream.indirect.gather [hbm4b:s1+s21], $0x80, s13, s21, $0xb8;
	[tilespmem:$0x1D000] =	vst v63  }
0x93: {  	_ =	swait.ge [sflag:s18], $0x4000  }
0x94: {  	[sflag:s18] =	ssyncset.done $0x0  }
0x95: {  	s12 =	simm.s32 $0x14700;
	[sflag:s18] =	ssyncadd.s32 $0xFFFFC000  }
0x96: {  	[spmem:s2] =	stream.indirect.scatter.add.f32 [tilespmem:s17], [sflag:$0x3], $0x80, s12, s21, $0xb8;
	[tilespmem:$0x1D000] =	vst v63  }
0x97: {  	_ =	swait.ge [sflag:s5], $0x800  }
0x98: {  	[sflag:s5] =	ssyncset.done $0x0  }
0x99: {  	[sflag:s5] =	ssyncadd.s32 $0xFFFFF800  }
0x9a: {  	_ =	swait.ge [sflag:s25], $0x4000  }
0x9b: {  	[sflag:s25] =	ssyncset.done $0x0  }
0x9c: {  	[sflag:s25] =	ssyncadd.s32 $0xFFFFC000  }
0x9d: {  	[tilespmem:s17], [sflag:$0x1] =	stream.indirect.gather [hbm4b:s1+s21], $0x80, s16, s21, $0xb8;
	[tilespmem:$0x1D000] =	vst v63  }
0x9e: {  	_ =	swait.ge [sflag:s19], $0x4000  }
0x9f: {  	[sflag:s19] =	ssyncset.done $0x0  }
0xa0: {  	s13 =	simm.s32 $0x14780;
	[sflag:s19] =	ssyncadd.s32 $0xFFFFC000  }
0xa1: {  	[spmem:s2] =	stream.indirect.scatter.add.f32 [tilespmem:s23], [sflag:$0x4], $0x80, s13, s21, $0xb8;
	[tilespmem:$0x1D000] =	vst v63  }
0xa2: {  	_ =	swait.ge [sflag:s29], $0x4000  }
0xa3: {  	[sflag:s29] =	ssyncset.done $0x0  }
0xa4: {  	s12 =	simm.s32 $0x14880;
	[sflag:s29] =	ssyncadd.s32 $0xFFFFC000  }
0xa5: {  	[tilespmem:s23], [sflag:$0x2] =	stream.indirect.gather [hbm4b:s1+s21], $0x80, s12, s21, $0xb8;
	[tilespmem:$0x1D000] =	vst v63  }
0xa6: {  	_ =	swait.ge [sflag:s18], $0x4000  }
0xa7: {  	p0 =	seq.s32 s11, $0x0;
	[sflag:s18] =	ssyncset.done $0x0  }
0xa8: {  	s13 =	simm.s32 $0x14C00;
	s12 =	sadd.s32 @!p0 s11, s14;
	[sflag:s18] =	ssyncadd.s32 $0xFFFFC000  }
0xa9: {  	[spmem:s2] =	stream.indirect.scatter.add.f32 [tilespmem:s17], [sflag:$0x3], $0x80, s13, s21, $0xb8;
	[tilespmem:$0x1D000] =	vst v63  }
0xaa: {  	s6 =	simm.s32 @!p0 $0x14000;
	s12 =	sadd.s32 @!p0 $0xA00, s12;
	s13 =	simm.s32 @!p0 $0x0  }
0xab: {  	[tilespmem:s6], [sflag:$0x5] =	stream.linear.gather @!p0 [hbm4b:s12+s13], $0x800, $0x38;
	[tilespmem:$0x1D000] =	vst v63  }
0xac: {  	_ =	swait.ge [sflag:s25], $0x4000  }
0xad: {  	[sflag:s25] =	ssyncset.done $0x0  }
0xae: {  	[sflag:s25] =	ssyncadd.s32 $0xFFFFC000  }
0xaf: {  	[tilespmem:s17], [sflag:$0x1] =	stream.indirect.gather [hbm4b:s1+s21], $0x80, s22, s21, $0xb8;
	[tilespmem:$0x1D000] =	vst v63  }
0xb0: {  	_ =	swait.ge [sflag:s19], $0x4000  }
0xb1: {  	[sflag:s19] =	ssyncset.done $0x0  }
0xb2: {  	[sflag:s19] =	ssyncadd.s32 $0xFFFFC000  }
0xb3: {  	[spmem:s2] =	stream.indirect.scatter.add.f32 [tilespmem:s23], [sflag:$0x4], $0x80, s24, s21, $0xb8;
	[tilespmem:$0x1D000] =	vst v63  }
0xb4: {  	_ =	swait.ge [sflag:s29], $0x4000  }
0xb5: {  	[sflag:s29] =	ssyncset.done $0x0  }
0xb6: {  	[sflag:s29] =	ssyncadd.s32 $0xFFFFC000  }
0xb7: {  	[tilespmem:s23], [sflag:$0x2] =	stream.indirect.gather [hbm4b:s1+s21], $0x80, s15, s21, $0xb8;
	[tilespmem:$0x1D000] =	vst v63  }
0xb8: {  	_ =	swait.ge [sflag:s18], $0x4000  }
0xb9: {  	[sflag:s18] =	ssyncset.done $0x0  }
0xba: {  	[sflag:s18] =	ssyncadd.s32 $0xFFFFC000  }
0xbb: {  	[spmem:s2] =	stream.indirect.scatter.add.f32 [tilespmem:s17], [sflag:$0x3], $0x80, s26, s21, $0xb8;
	[tilespmem:$0x1D000] =	vst v63  }
0xbc: {  	_ =	swait.ge [sflag:s25], $0x4000  }
0xbd: {  	[sflag:s25] =	ssyncset.done $0x0  }
0xbe: {  	[sflag:s25] =	ssyncadd.s32 $0xFFFFC000  }
0xbf: {  	[tilespmem:s17], [sflag:$0x1] =	stream.indirect.gather [hbm4b:s1+s21], $0x80, s28, s21, $0xb8;
	[tilespmem:$0x1D000] =	vst v63  }
0xc0: {  	_ =	swait.ge [sflag:s19], $0x4000  }
0xc1: {  	[sflag:s19] =	ssyncset.done $0x0  }
0xc2: {  	[sflag:s19] =	ssyncadd.s32 $0xFFFFC000  }
0xc3: {  	[spmem:s2] =	stream.indirect.scatter.add.f32 [tilespmem:s23], [sflag:$0x4], $0x80, s30, s21, $0xb8;
	[tilespmem:$0x1D000] =	vst v63  }
0xc4: {  	_ =	swait.ge [sflag:s29], $0x4000  }
0xc5: {  	[sflag:s29] =	ssyncset.done $0x0  }
0xc6: {  	[sflag:s29] =	ssyncadd.s32 $0xFFFFC000  }
0xc7: {  	[tilespmem:s23], [sflag:$0x2] =	stream.indirect.gather [hbm4b:s1+s21], $0x80, s31, s21, $0xb8;
	[tilespmem:$0x1D000] =	vst v63  }
0xc8: {  	_ =	swait.ge [sflag:s18], $0x4000  }
0xc9: {  	[sflag:s18] =	ssyncset.done $0x0  }
0xca: {  	[sflag:s18] =	ssyncadd.s32 $0xFFFFC000  }
0xcb: {  	[spmem:s2] =	stream.indirect.scatter.add.f32 [tilespmem:s17], [sflag:$0x3], $0x80, s0, s21, $0xb8;
	[tilespmem:$0x1D000] =	vst v63  }
0xcc: {  	_ =	swait.ge [sflag:s25], $0x4000  }
0xcd: {  	[sflag:s25] =	ssyncset.done $0x0  }
0xce: {  	[sflag:s25] =	ssyncadd.s32 $0xFFFFC000  }
0xcf: {  	[tilespmem:s17], [sflag:$0x1] =	stream.indirect.gather [hbm4b:s1+s21], $0x80, s3, s21, $0xb8;
	[tilespmem:$0x1D000] =	vst v63  }
0xd0: {  	_ =	swait.ge [sflag:s19], $0x4000  }
0xd1: {  	[sflag:s19] =	ssyncset.done $0x0  }
0xd2: {  	[sflag:s19] =	ssyncadd.s32 $0xFFFFC000  }
0xd3: {  	[spmem:s2] =	stream.indirect.scatter.add.f32 [tilespmem:s23], [sflag:$0x4], $0x80, s7, s21, $0xb8;
	[tilespmem:$0x1D000] =	vst v63  }
0xd4: {  	_ =	swait.ge [sflag:s29], $0x4000  }
0xd5: {  	[sflag:s29] =	ssyncset.done $0x0  }
0xd6: {  	[sflag:s29] =	ssyncadd.s32 $0xFFFFC000  }
0xd7: {  	[tilespmem:s23], [sflag:$0x2] =	stream.indirect.gather [hbm4b:s1+s21], $0x80, s8, s21, $0xb8;
	[tilespmem:$0x1D000] =	vst v63  }
0xd8: {  	_ =	swait.ge [sflag:s18], $0x4000  }
0xd9: {  	[sflag:s18] =	ssyncset.done $0x0  }
.Ltmp3:
0xda: {  	[sflag:s18] =	ssyncadd.s32 $0xFFFFC000;
	(pc) =	sbr.rel @p0 .LBB2_6-.Ltmp3, $4  }
0xdb: {  	[spmem:s2] =	stream.indirect.scatter.add.f32 [tilespmem:s17], [sflag:$0x3], $0x80, s9, s21, $0xb8;
	[tilespmem:$0x1D000] =	vst v63  }
0xdc: {  	_ =	swait.ge [sflag:s25], $0x4000  }
0xdd: {  	[sflag:s25] =	ssyncset.done $0x0  }
0xde: {  	[sflag:s25] =	ssyncadd.s32 $0xFFFFC000  }
0xdf: {  	_ =	swait.ge [sflag:s20], $0x800  }
0xe0: {  	[sflag:s20] =	ssyncset.done $0x0  }
0xe1: {  	s6 =	simm.s32 $0x14000;
	[sflag:s20] =	ssyncadd.s32 $0xFFFFF800  }
0xe2: {  	[tilespmem:s17], [sflag:$0x1] =	stream.indirect.gather [hbm4b:s1+s21], $0x80, s6, s21, $0xb8;
	[tilespmem:$0x1D000] =	vst v63  }
0xe3: {  	_ =	swait.ge [sflag:s19], $0x4000  }
0xe4: {  	[sflag:s19] =	ssyncset.done $0x0  }
0xe5: {  	[sflag:s19] =	ssyncadd.s32 $0xFFFFC000  }
0xe6: {  	[spmem:s2] =	stream.indirect.scatter.add.f32 [tilespmem:s23], [sflag:$0x4], $0x80, s10, s21, $0xb8;
	[tilespmem:$0x1D000] =	vst v63  }
0xe7: {  	_ =	swait.ge [sflag:s29], $0x4000  }
.Ltmp4:
0xe8: {  	[sflag:s29] =	ssyncset.done $0x0;
	(pc) =	sbr.rel .LBB2_4-.Ltmp4, $4  }
0xe9: {  	s12 =	simm.s32 $0x14080;
	s13 =	sadd.s32 s11, s14;
	[sflag:s29] =	ssyncadd.s32 $0xFFFFC000  }
0xea: {  	[tilespmem:s23], [sflag:$0x2] =	stream.indirect.gather [hbm4b:s1+s21], $0x80, s12, s21, $0xb8;
	[tilespmem:$0x1D000] =	vst v63  }
0xeb: {  	s11 =	sadd.s32 $0x200, s11;
	s6 =	sadd.s32 $0xB00, s13  }
0xec: {  	[tilespmem:s16], [sflag:$0x6] =	stream.linear.gather [hbm4b:s6+s4], $0x800, $0x38;
	[tilespmem:$0x1D000] =	vst v63  }
.LBB2_7:
0xed: {  	_ =	sfence.sel $0x180000  }
0xee: {  	[bflag:$0x0] =	sbarrier.arrive $0xFFFF  }
0xef: {  	_ =	strace $0x90000047  }
0xf0: {  	s0 =	stileid.u32;
	[bflag:$0x2] =	sbarrier.arrive $0xFFFF  }
0xf1: {  	p0 =	sne.s32 s0, $0x0;
	s0 =	rddreg [dreg:$0x3]  }
0xf2: {  	s0 =	sadd.s32 @!p0 $0x100000, s0  }
0xf3: {  	[sflag:s0] =	ssyncadd.tile.s32 @!p0 $0x1;
	_ =	shalt  }
.Lfunc_end2:
_tile_overlayer_lowered:
.L_overlay_start_2:
0xf4: {  	(tag) =	ssettag $0x2  }
0xf5: {  	s0 =	rddreg [dreg:$0x0];
	s2 =	stileid.u32  }
0xf6: {  	s1 =	rddreg [dreg:$0x1];
	p0 =	sne.s32 s2, $0x0  }
0xf7: {  	s3 =	rddreg [dreg:$0x2];
	[bflag:$0x3] =	sbarrier.arrive $0xFFFF;
	s2 =	simm.s32 @!p0 $0x1C07  }
0xf8: {  	[timem:s3], [sflag:s2] =	dma.local @!p0 [hbm:s0], s1  }
0xf9: {  	s0 =	simm.s32 @!p0 $0x7  }
0xfa: {  	_ =	swait.ge @!p0 [sflag:s0], s1  }
0xfb: {  	s1 =	ssub.s32 @!p0 $0x0, s1;
	[sflag:s0] =	ssyncset.done @!p0 $0x0  }
0xfc: {  	[sflag:s0] =	ssyncadd.s32 @!p0 s1  }
0xfd: {  	[bflag:$0x3] =	sbarrier.arrive $0xFFFF  }
0xfe: {  	_ =	shalt  }

</sc_bundles>
